<compile_context>
chip_gen: v7x
topology: tpu7x:2x2x1
jax: 0.10.2.dev20260603
libtpu: 0.0.44.dev20260713+nightly
codegen_flags: <defaults>
</compile_context>

<pallas_src>
import jax
import jax.numpy as jnp
from jax import lax
from jax.experimental import pallas as pl
from jax.experimental.pallas import tpu as pltpu
from jax.experimental.pallas import tpu_sc as plsc

D = 64
B = 4096
SEQ = 200
NT = 20
CH = 96
NC = 2
NS = 16
NW = NC * NS
BPW = B // NW


def _sc_body(idx_hbm, wte_hbm, learned_hbm, out_hbm, idx_v, stage, sem_g, sem_w):
    c = lax.axis_index("c")
    s = lax.axis_index("s")
    wid = s * NC + c
    base = wid * BPW

    pltpu.sync_copy(idx_hbm.at[pl.ds(base, BPW)], idx_v)
    pltpu.sync_copy(learned_hbm, stage.at[0, pl.ds(0, NT)])
    pltpu.sync_copy(learned_hbm, stage.at[1, pl.ds(0, NT)])

    def start_gather(b, slot):
        pltpu.async_copy(
            wte_hbm.at[idx_v.at[b, 0]], stage.at[slot, pl.ds(NT, CH)],
            sem_g.at[slot])
        pltpu.async_copy(
            wte_hbm.at[idx_v.at[b, 1]], stage.at[slot, pl.ds(SEQ - CH, CH)],
            sem_g.at[slot])

    def wait_gather(b, slot):
        pltpu.make_async_copy(
            wte_hbm.at[idx_v.at[b, 0]], stage.at[slot, pl.ds(NT, CH)],
            sem_g.at[slot]).wait()
        pltpu.make_async_copy(
            wte_hbm.at[idx_v.at[b, 1]], stage.at[slot, pl.ds(SEQ - CH, CH)],
            sem_g.at[slot]).wait()

    def start_wb(b, slot):
        pltpu.async_copy(stage.at[slot], out_hbm.at[base + b, :, pl.ds(0, D)],
                         sem_w.at[slot])

    def wait_wb(b, slot):
        pltpu.make_async_copy(
            stage.at[slot], out_hbm.at[base + b, :, pl.ds(0, D)],
            sem_w.at[slot]).wait()

    start_gather(0, 0)
    wait_gather(0, 0)
    start_wb(0, 0)
    start_gather(1, 1)

    def row(b, carry):
        slot = b & 1
        other = 1 - slot
        wait_gather(b, slot)
        start_wb(b, slot)
        wait_wb(b - 1, other)
        start_gather(b + 1, other)
        return carry

    lax.fori_loop(1, BPW - 1, row, 0)

    wait_gather(BPW - 1, 1)
    start_wb(BPW - 1, 1)
    wait_wb(BPW - 2, 0)
    wait_wb(BPW - 1, 1)


def kernel(tokens, wte_weight, learned_embedding):
    tokens = tokens.astype(jnp.int32)
    idx3 = jnp.stack(
        [tokens[:, NT:NT + CH], tokens[:, SEQ - CH:SEQ]], axis=1)

    mesh = plsc.VectorSubcoreMesh(core_axis_name="c", subcore_axis_name="s")
    run = pl.kernel(
        _sc_body,
        out_type=jax.ShapeDtypeStruct((B, SEQ, 2 * D), jnp.float32),
        mesh=mesh,
        scratch_types=[
            pltpu.VMEM((BPW, 2, CH), jnp.int32),
            pltpu.VMEM((2, SEQ, D), jnp.float32),
            pltpu.SemaphoreType.DMA((2,)),
            pltpu.SemaphoreType.DMA((2,)),
        ],
        compiler_params=pltpu.CompilerParams(use_tc_tiling_on_sc=False),
    )
    x = run(idx3, wte_weight, learned_embedding)
    return x[:, :, :D]

# --- scband reference (transcript-rebuilt; emitter-appended) ---
"""Pipeline reference for scband-promptembedding-9431748182344 (READ-ONLY COPY).

The authoritative reference and input builder live on the scoring server;
editing this copy changes nothing except your own understanding.
"""

import jax, jax.numpy as jnp
import numpy as np

VOCAB = 100000
EMBED_DIM = 64
BATCH = 4096
SEQ = 200
N_TOKENS = 20


def setup_inputs(seed: int = 0) -> dict:
    key = jax.random.key(seed)
    k_tok, k_wte = jax.random.split(key)
    tokens = jax.random.randint(k_tok, (BATCH, SEQ), 0, VOCAB, dtype=jnp.int64 if jax.config.jax_enable_x64 else jnp.int32)
    wte_weight = jax.random.normal(k_wte, (VOCAB, EMBED_DIM), dtype=jnp.float32)
    # initialize_from_vocab=True: learned prompt embedding is a clone of first n_tokens rows
    learned_embedding = wte_weight[:N_TOKENS]
    return {"tokens": tokens, "wte_weight": wte_weight, "learned_embedding": learned_embedding}


def reference(tokens, wte_weight, learned_embedding):
    # input_embedding = self.wte(tokens[:, self.n_tokens:])
    input_embedding = jnp.take(wte_weight, tokens[:, N_TOKENS:], axis=0)  # [B, SEQ-n_tokens, D]
    # learned_embedding.repeat(B, 1, 1)
    b = input_embedding.shape[0]
    learned = jnp.broadcast_to(learned_embedding[None, :, :], (b, N_TOKENS, EMBED_DIM))
    # torch.cat([learned_embedding, input_embedding], 1)
    return jnp.concatenate([learned, input_embedding], axis=1)  # [B, SEQ, D]

if __name__ == "__main__":
    import jax
    _d = setup_inputs()
    print(jax.jit(kernel)(*tuple(_d.values())))

</pallas_src>

<mosaic_0001>
#map = affine_map<(d0, d1) -> (0, 0, 0)>
#map1 = affine_map<(d0, d1) -> (0, 0)>
module attributes {stable_mosaic.version = 14 : i64} {
  func.func @_sc_body(%arg0: i32, %arg1: i32, %arg2: memref<4096x2x96xi32, #tpu.memory_space<hbm>>, %arg3: memref<100000x64xf32, #tpu.memory_space<hbm>>, %arg4: memref<20x64xf32, #tpu.memory_space<hbm>>, %arg5: memref<4096x200x128xf32, #tpu.memory_space<hbm>>, %arg6: memref<128x2x96xi32, #tpu.memory_space<vmem>>, %arg7: memref<2x200x64xf32, #tpu.memory_space<vmem>>, %arg8: memref<2x!tpu.dma_semaphore, #tpu.memory_space<semaphore_mem>>, %arg9: memref<2x!tpu.dma_semaphore, #tpu.memory_space<semaphore_mem>>) attributes {dimension_semantics = [#tpu.dimension_semantics<core_parallel>, #tpu.dimension_semantics<subcore_parallel>], iteration_bounds = array<i64: 2, 16>, scalar_prefetch = 0 : i64, scratch_operands = 4 : i64, tpu.core_type = #tpu.core_type<sc_vector_subcore>, window_params = [{transform_indices = #map}, {transform_indices = #map1}, {transform_indices = #map1}, {transform_indices = #map}]} {
    %mul3A = arith.constant 2 : i32
    %mul3A_0 = arith.muli %arg1, %mul3A : i32
    %add3A = arith.addi %mul3A_0, %arg0 : i32
    %mul3A_1 = arith.constant 128 : i32
    %mul3A_2 = arith.muli %add3A, %mul3A_1 : i32
    "tpu.region"() ({
      %run_scoped3A_223 = tpu.sem_alloc : memref<!tpu.dma_semaphore, #tpu.memory_space<semaphore_mem>>
      %dma_start3A_224 = arith.constant 0 : i32
      %dma_start3A_225 = arith.constant 0 : i32
      %dma_start3A_226 = tpu.memref_slice %arg2[%mul3A_2, %dma_start3A_224, %dma_start3A_225] : memref<4096x2x96xi32, #tpu.memory_space<hbm>> -> memref<128x2x96xi32, #tpu.memory_space<hbm>>
      %dma_start3A_227 = arith.constant 0 : i32
      %dma_start3A_228 = arith.constant 0 : i32
      %dma_start3A_229 = tpu.memref_slice %arg2[%mul3A_2, %dma_start3A_227, %dma_start3A_228] : memref<4096x2x96xi32, #tpu.memory_space<hbm>> -> memref<128x2x96xi32, #tpu.memory_space<hbm>>
      tpu.enqueue_dma source(%dma_start3A_229 : memref<128x2x96xi32, #tpu.memory_space<hbm>>) target(%arg6 : memref<128x2x96xi32, #tpu.memory_space<vmem>>) target_semaphore(%run_scoped3A_223 : memref<!tpu.dma_semaphore, #tpu.memory_space<semaphore_mem>>)
      %dma_wait3A_230 = arith.constant 0 : i32
      %dma_wait3A_231 = arith.constant 0 : i32
      %dma_wait3A_232 = tpu.memref_slice %arg2[%mul3A_2, %dma_wait3A_230, %dma_wait3A_231] : memref<4096x2x96xi32, #tpu.memory_space<hbm>> -> memref<128x2x96xi32, #tpu.memory_space<hbm>>
      %dma_wait3A_233 = arith.constant 0 : i32
      %dma_wait3A_234 = arith.constant 0 : i32
      %dma_wait3A_235 = tpu.memref_slice %arg2[%mul3A_2, %dma_wait3A_233, %dma_wait3A_234] : memref<4096x2x96xi32, #tpu.memory_space<hbm>> -> memref<128x2x96xi32, #tpu.memory_space<hbm>>
      tpu.wait_dma2 semaphore(%run_scoped3A_223 : memref<!tpu.dma_semaphore, #tpu.memory_space<semaphore_mem>>) src(%dma_wait3A_235 : memref<128x2x96xi32, #tpu.memory_space<hbm>>) dst(%arg6 : memref<128x2x96xi32, #tpu.memory_space<vmem>>)
      tpu.yield
    }) : () -> ()
    %run_scoped3A = arith.constant 0 : i32
    "tpu.region"() ({
      %run_scoped3A_223 = tpu.sem_alloc : memref<!tpu.dma_semaphore, #tpu.memory_space<semaphore_mem>>
      %dma_start3A_224 = arith.constant 0 : i32
      %dma_start3A_225 = arith.constant 0 : i32
      %dma_start3A_226 = tpu.memref_slice %arg7[%run_scoped3A, %dma_start3A_224, %dma_start3A_225] : memref<2x200x64xf32, #tpu.memory_space<vmem>> -> memref<1x20x64xf32, #tpu.memory_space<vmem>>
      %dma_start3A_227 = tpu.memref_squeeze %dma_start3A_226 : memref<1x20x64xf32, #tpu.memory_space<vmem>> -> memref<20x64xf32, #tpu.memory_space<vmem>>
      %dma_start3A_228 = arith.constant 0 : i32
      %dma_start3A_229 = arith.constant 0 : i32
      %dma_start3A_230 = tpu.memref_slice %arg7[%run_scoped3A, %dma_start3A_228, %dma_start3A_229] : memref<2x200x64xf32, #tpu.memory_space<vmem>> -> memref<1x20x64xf32, #tpu.memory_space<vmem>>
      %dma_start3A_231 = tpu.memref_squeeze %dma_start3A_230 : memref<1x20x64xf32, #tpu.memory_space<vmem>> -> memref<20x64xf32, #tpu.memory_space<vmem>>
      tpu.enqueue_dma source(%arg4 : memref<20x64xf32, #tpu.memory_space<hbm>>) target(%dma_start3A_231 : memref<20x64xf32, #tpu.memory_space<vmem>>) target_semaphore(%run_scoped3A_223 : memref<!tpu.dma_semaphore, #tpu.memory_space<semaphore_mem>>)
      %dma_wait3A_232 = arith.constant 0 : i32
      %dma_wait3A_233 = arith.constant 0 : i32
      %dma_wait3A_234 = tpu.memref_slice %arg7[%run_scoped3A, %dma_wait3A_232, %dma_wait3A_233] : memref<2x200x64xf32, #tpu.memory_space<vmem>> -> memref<1x20x64xf32, #tpu.memory_space<vmem>>
      %dma_wait3A_235 = tpu.memref_squeeze %dma_wait3A_234 : memref<1x20x64xf32, #tpu.memory_space<vmem>> -> memref<20x64xf32, #tpu.memory_space<vmem>>
      %dma_wait3A_236 = arith.constant 0 : i32
      %dma_wait3A_237 = arith.constant 0 : i32
      %dma_wait3A_238 = tpu.memref_slice %arg7[%run_scoped3A, %dma_wait3A_236, %dma_wait3A_237] : memref<2x200x64xf32, #tpu.memory_space<vmem>> -> memref<1x20x64xf32, #tpu.memory_space<vmem>>
      %dma_wait3A_239 = tpu.memref_squeeze %dma_wait3A_238 : memref<1x20x64xf32, #tpu.memory_space<vmem>> -> memref<20x64xf32, #tpu.memory_space<vmem>>
      tpu.wait_dma2 semaphore(%run_scoped3A_223 : memref<!tpu.dma_semaphore, #tpu.memory_space<semaphore_mem>>) src(%arg4 : memref<20x64xf32, #tpu.memory_space<hbm>>) dst(%dma_wait3A_239 : memref<20x64xf32, #tpu.memory_space<vmem>>)
      tpu.yield
    }) : () -> ()
    %run_scoped3A_3 = arith.constant 1 : i32
    "tpu.region"() ({
      %run_scoped3A_223 = tpu.sem_alloc : memref<!tpu.dma_semaphore, #tpu.memory_space<semaphore_mem>>
      %dma_start3A_224 = arith.constant 0 : i32
      %dma_start3A_225 = arith.constant 0 : i32
      %dma_start3A_226 = tpu.memref_slice %arg7[%run_scoped3A_3, %dma_start3A_224, %dma_start3A_225] : memref<2x200x64xf32, #tpu.memory_space<vmem>> -> memref<1x20x64xf32, #tpu.memory_space<vmem>>
      %dma_start3A_227 = tpu.memref_squeeze %dma_start3A_226 : memref<1x20x64xf32, #tpu.memory_space<vmem>> -> memref<20x64xf32, #tpu.memory_space<vmem>>
      %dma_start3A_228 = arith.constant 0 : i32
      %dma_start3A_229 = arith.constant 0 : i32
      %dma_start3A_230 = tpu.memref_slice %arg7[%run_scoped3A_3, %dma_start3A_228, %dma_start3A_229] : memref<2x200x64xf32, #tpu.memory_space<vmem>> -> memref<1x20x64xf32, #tpu.memory_space<vmem>>
      %dma_start3A_231 = tpu.memref_squeeze %dma_start3A_230 : memref<1x20x64xf32, #tpu.memory_space<vmem>> -> memref<20x64xf32, #tpu.memory_space<vmem>>
      tpu.enqueue_dma source(%arg4 : memref<20x64xf32, #tpu.memory_space<hbm>>) target(%dma_start3A_231 : memref<20x64xf32, #tpu.memory_space<vmem>>) target_semaphore(%run_scoped3A_223 : memref<!tpu.dma_semaphore, #tpu.memory_space<semaphore_mem>>)
      %dma_wait3A_232 = arith.constant 0 : i32
      %dma_wait3A_233 = arith.constant 0 : i32
      %dma_wait3A_234 = tpu.memref_slice %arg7[%run_scoped3A_3, %dma_wait3A_232, %dma_wait3A_233] : memref<2x200x64xf32, #tpu.memory_space<vmem>> -> memref<1x20x64xf32, #tpu.memory_space<vmem>>
      %dma_wait3A_235 = tpu.memref_squeeze %dma_wait3A_234 : memref<1x20x64xf32, #tpu.memory_space<vmem>> -> memref<20x64xf32, #tpu.memory_space<vmem>>
      %dma_wait3A_236 = arith.constant 0 : i32
      %dma_wait3A_237 = arith.constant 0 : i32
      %dma_wait3A_238 = tpu.memref_slice %arg7[%run_scoped3A_3, %dma_wait3A_236, %dma_wait3A_237] : memref<2x200x64xf32, #tpu.memory_space<vmem>> -> memref<1x20x64xf32, #tpu.memory_space<vmem>>
      %dma_wait3A_239 = tpu.memref_squeeze %dma_wait3A_238 : memref<1x20x64xf32, #tpu.memory_space<vmem>> -> memref<20x64xf32, #tpu.memory_space<vmem>>
      tpu.wait_dma2 semaphore(%run_scoped3A_223 : memref<!tpu.dma_semaphore, #tpu.memory_space<semaphore_mem>>) src(%arg4 : memref<20x64xf32, #tpu.memory_space<hbm>>) dst(%dma_wait3A_239 : memref<20x64xf32, #tpu.memory_space<vmem>>)
      tpu.yield
    }) : () -> ()
    %dma_start3A = arith.constant 0 : i32
    %dma_start3A_4 = arith.constant 0 : i32
    %dma_start3A_5 = arith.constant 0 : i32
    %dma_start3A_6 = arith.constant 0 : i32
    %dma_start3A_7 = arith.constant 20 : i32
    %dma_start3A_8 = arith.constant 0 : i32
    %dma_start3A_9 = tpu.memref_slice %arg7[%dma_start3A_5, %dma_start3A_7, %dma_start3A_8] : memref<2x200x64xf32, #tpu.memory_space<vmem>> -> memref<1x96x64xf32, #tpu.memory_space<vmem>>
    %dma_start3A_10 = tpu.memref_squeeze %dma_start3A_9 : memref<1x96x64xf32, #tpu.memory_space<vmem>> -> memref<96x64xf32, #tpu.memory_space<vmem>>
    %dma_start3A_11 = arith.constant 0 : i32
    %dma_start3A_12 = tpu.memref_slice %arg6[%dma_start3A, %dma_start3A_4, %dma_start3A_11] : memref<128x2x96xi32, #tpu.memory_space<vmem>> -> memref<1x1x96xi32, #tpu.memory_space<vmem>>
    %dma_start3A_13 = tpu.memref_squeeze %dma_start3A_12 : memref<1x1x96xi32, #tpu.memory_space<vmem>> -> memref<96xi32, #tpu.memory_space<vmem>>
    %dma_start3A_14 = arith.constant 0 : i32
    %dma_start3A_15 = arith.constant 0 : i32
    %dma_start3A_16 = tpu.memref_slice %arg3[%dma_start3A_14, %dma_start3A_15] : memref<100000x64xf32, #tpu.memory_space<hbm>> -> memref<100000x64xf32, #tpu.memory_space<hbm>>
    %dma_start3A_17 = tpu.memref_slice %arg8[%dma_start3A_6] : memref<2x!tpu.dma_semaphore, #tpu.memory_space<semaphore_mem>> -> memref<1x!tpu.dma_semaphore, #tpu.memory_space<semaphore_mem>>
    %dma_start3A_18 = tpu.memref_squeeze %dma_start3A_17 : memref<1x!tpu.dma_semaphore, #tpu.memory_space<semaphore_mem>> -> memref<!tpu.dma_semaphore, #tpu.memory_space<semaphore_mem>>
    tpu.enqueue_indirect_dma source(%dma_start3A_16 : memref<100000x64xf32, #tpu.memory_space<hbm>>) target(%dma_start3A_10 : memref<96x64xf32, #tpu.memory_space<vmem>>) offsets(%dma_start3A_13 : memref<96xi32, #tpu.memory_space<vmem>>) semaphore(%dma_start3A_18 : memref<!tpu.dma_semaphore, #tpu.memory_space<semaphore_mem>>)
    %dma_start3A_19 = arith.constant 0 : i32
    %dma_start3A_20 = arith.constant 1 : i32
    %dma_start3A_21 = arith.constant 0 : i32
    %dma_start3A_22 = arith.constant 0 : i32
    %dma_start3A_23 = arith.constant 104 : i32
    %dma_start3A_24 = arith.constant 0 : i32
    %dma_start3A_25 = tpu.memref_slice %arg7[%dma_start3A_21, %dma_start3A_23, %dma_start3A_24] : memref<2x200x64xf32, #tpu.memory_space<vmem>> -> memref<1x96x64xf32, #tpu.memory_space<vmem>>
    %dma_start3A_26 = tpu.memref_squeeze %dma_start3A_25 : memref<1x96x64xf32, #tpu.memory_space<vmem>> -> memref<96x64xf32, #tpu.memory_space<vmem>>
    %dma_start3A_27 = arith.constant 0 : i32
    %dma_start3A_28 = tpu.memref_slice %arg6[%dma_start3A_19, %dma_start3A_20, %dma_start3A_27] : memref<128x2x96xi32, #tpu.memory_space<vmem>> -> memref<1x1x96xi32, #tpu.memory_space<vmem>>
    %dma_start3A_29 = tpu.memref_squeeze %dma_start3A_28 : memref<1x1x96xi32, #tpu.memory_space<vmem>> -> memref<96xi32, #tpu.memory_space<vmem>>
    %dma_start3A_30 = arith.constant 0 : i32
    %dma_start3A_31 = arith.constant 0 : i32
    %dma_start3A_32 = tpu.memref_slice %arg3[%dma_start3A_30, %dma_start3A_31] : memref<100000x64xf32, #tpu.memory_space<hbm>> -> memref<100000x64xf32, #tpu.memory_space<hbm>>
    %dma_start3A_33 = tpu.memref_slice %arg8[%dma_start3A_22] : memref<2x!tpu.dma_semaphore, #tpu.memory_space<semaphore_mem>> -> memref<1x!tpu.dma_semaphore, #tpu.memory_space<semaphore_mem>>
    %dma_start3A_34 = tpu.memref_squeeze %dma_start3A_33 : memref<1x!tpu.dma_semaphore, #tpu.memory_space<semaphore_mem>> -> memref<!tpu.dma_semaphore, #tpu.memory_space<semaphore_mem>>
    tpu.enqueue_indirect_dma source(%dma_start3A_32 : memref<100000x64xf32, #tpu.memory_space<hbm>>) target(%dma_start3A_26 : memref<96x64xf32, #tpu.memory_space<vmem>>) offsets(%dma_start3A_29 : memref<96xi32, #tpu.memory_space<vmem>>) semaphore(%dma_start3A_34 : memref<!tpu.dma_semaphore, #tpu.memory_space<semaphore_mem>>)
    %dma_wait3A = arith.constant 0 : i32
    %dma_wait3A_35 = arith.constant 0 : i32
    %dma_wait3A_36 = arith.constant 0 : i32
    %dma_wait3A_37 = arith.constant 0 : i32
    %dma_wait3A_38 = arith.constant 20 : i32
    %dma_wait3A_39 = arith.constant 0 : i32
    %dma_wait3A_40 = tpu.memref_slice %arg7[%dma_wait3A_36, %dma_wait3A_38, %dma_wait3A_39] : memref<2x200x64xf32, #tpu.memory_space<vmem>> -> memref<1x96x64xf32, #tpu.memory_space<vmem>>
    %dma_wait3A_41 = tpu.memref_squeeze %dma_wait3A_40 : memref<1x96x64xf32, #tpu.memory_space<vmem>> -> memref<96x64xf32, #tpu.memory_space<vmem>>
    %dma_wait3A_42 = arith.constant 0 : i32
    %dma_wait3A_43 = tpu.memref_slice %arg6[%dma_wait3A, %dma_wait3A_35, %dma_wait3A_42] : memref<128x2x96xi32, #tpu.memory_space<vmem>> -> memref<1x1x96xi32, #tpu.memory_space<vmem>>
    %dma_wait3A_44 = tpu.memref_squeeze %dma_wait3A_43 : memref<1x1x96xi32, #tpu.memory_space<vmem>> -> memref<96xi32, #tpu.memory_space<vmem>>
    %dma_wait3A_45 = arith.constant 0 : i32
    %dma_wait3A_46 = arith.constant 0 : i32
    %dma_wait3A_47 = tpu.memref_slice %arg3[%dma_wait3A_45, %dma_wait3A_46] : memref<100000x64xf32, #tpu.memory_space<hbm>> -> memref<100000x64xf32, #tpu.memory_space<hbm>>
    %dma_wait3A_48 = tpu.memref_slice %arg8[%dma_wait3A_37] : memref<2x!tpu.dma_semaphore, #tpu.memory_space<semaphore_mem>> -> memref<1x!tpu.dma_semaphore, #tpu.memory_space<semaphore_mem>>
    %dma_wait3A_49 = tpu.memref_squeeze %dma_wait3A_48 : memref<1x!tpu.dma_semaphore, #tpu.memory_space<semaphore_mem>> -> memref<!tpu.dma_semaphore, #tpu.memory_space<semaphore_mem>>
    tpu.wait_indirect_dma semaphore(%dma_wait3A_49 : memref<!tpu.dma_semaphore, #tpu.memory_space<semaphore_mem>>) src(%dma_wait3A_47 : memref<100000x64xf32, #tpu.memory_space<hbm>>) dst(%dma_wait3A_41 : memref<96x64xf32, #tpu.memory_space<vmem>>)
    %dma_wait3A_50 = arith.constant 0 : i32
    %dma_wait3A_51 = arith.constant 1 : i32
    %dma_wait3A_52 = arith.constant 0 : i32
    %dma_wait3A_53 = arith.constant 0 : i32
    %dma_wait3A_54 = arith.constant 104 : i32
    %dma_wait3A_55 = arith.constant 0 : i32
    %dma_wait3A_56 = tpu.memref_slice %arg7[%dma_wait3A_52, %dma_wait3A_54, %dma_wait3A_55] : memref<2x200x64xf32, #tpu.memory_space<vmem>> -> memref<1x96x64xf32, #tpu.memory_space<vmem>>
    %dma_wait3A_57 = tpu.memref_squeeze %dma_wait3A_56 : memref<1x96x64xf32, #tpu.memory_space<vmem>> -> memref<96x64xf32, #tpu.memory_space<vmem>>
    %dma_wait3A_58 = arith.constant 0 : i32
    %dma_wait3A_59 = tpu.memref_slice %arg6[%dma_wait3A_50, %dma_wait3A_51, %dma_wait3A_58] : memref<128x2x96xi32, #tpu.memory_space<vmem>> -> memref<1x1x96xi32, #tpu.memory_space<vmem>>
    %dma_wait3A_60 = tpu.memref_squeeze %dma_wait3A_59 : memref<1x1x96xi32, #tpu.memory_space<vmem>> -> memref<96xi32, #tpu.memory_space<vmem>>
    %dma_wait3A_61 = arith.constant 0 : i32
    %dma_wait3A_62 = arith.constant 0 : i32
    %dma_wait3A_63 = tpu.memref_slice %arg3[%dma_wait3A_61, %dma_wait3A_62] : memref<100000x64xf32, #tpu.memory_space<hbm>> -> memref<100000x64xf32, #tpu.memory_space<hbm>>
    %dma_wait3A_64 = tpu.memref_slice %arg8[%dma_wait3A_53] : memref<2x!tpu.dma_semaphore, #tpu.memory_space<semaphore_mem>> -> memref<1x!tpu.dma_semaphore, #tpu.memory_space<semaphore_mem>>
    %dma_wait3A_65 = tpu.memref_squeeze %dma_wait3A_64 : memref<1x!tpu.dma_semaphore, #tpu.memory_space<semaphore_mem>> -> memref<!tpu.dma_semaphore, #tpu.memory_space<semaphore_mem>>
    tpu.wait_indirect_dma semaphore(%dma_wait3A_65 : memref<!tpu.dma_semaphore, #tpu.memory_space<semaphore_mem>>) src(%dma_wait3A_63 : memref<100000x64xf32, #tpu.memory_space<hbm>>) dst(%dma_wait3A_57 : memref<96x64xf32, #tpu.memory_space<vmem>>)
    %add3A_66 = arith.constant 0 : i32
    %add3A_67 = arith.addi %mul3A_2, %add3A_66 : i32
    %dma_start3A_68 = arith.constant 0 : i32
    %dma_start3A_69 = arith.constant 0 : i32
    %dma_start3A_70 = arith.constant 0 : i32
    %dma_start3A_71 = arith.constant 0 : i32
    %dma_start3A_72 = tpu.memref_slice %arg7[%dma_start3A_68, %dma_start3A_70, %dma_start3A_71] : memref<2x200x64xf32, #tpu.memory_space<vmem>> -> memref<1x200x64xf32, #tpu.memory_space<vmem>>
    %dma_start3A_73 = tpu.memref_squeeze %dma_start3A_72 : memref<1x200x64xf32, #tpu.memory_space<vmem>> -> memref<200x64xf32, #tpu.memory_space<vmem>>
    %dma_start3A_74 = arith.constant 0 : i32
    %dma_start3A_75 = arith.constant 0 : i32
    %dma_start3A_76 = tpu.memref_slice %arg5[%add3A_67, %dma_start3A_74, %dma_start3A_75] : memref<4096x200x128xf32, #tpu.memory_space<hbm>> -> memref<1x200x64xf32, #tpu.memory_space<hbm>>
    %dma_start3A_77 = tpu.memref_squeeze %dma_start3A_76 : memref<1x200x64xf32, #tpu.memory_space<hbm>> -> memref<200x64xf32, #tpu.memory_space<hbm>>
    %dma_start3A_78 = tpu.memref_slice %arg9[%dma_start3A_69] : memref<2x!tpu.dma_semaphore, #tpu.memory_space<semaphore_mem>> -> memref<1x!tpu.dma_semaphore, #tpu.memory_space<semaphore_mem>>
    %dma_start3A_79 = tpu.memref_squeeze %dma_start3A_78 : memref<1x!tpu.dma_semaphore, #tpu.memory_space<semaphore_mem>> -> memref<!tpu.dma_semaphore, #tpu.memory_space<semaphore_mem>>
    %dma_start3A_80 = arith.constant 0 : i32
    %dma_start3A_81 = arith.constant 0 : i32
    %dma_start3A_82 = tpu.memref_slice %arg5[%add3A_67, %dma_start3A_80, %dma_start3A_81] : memref<4096x200x128xf32, #tpu.memory_space<hbm>> -> memref<1x200x64xf32, #tpu.memory_space<hbm>>
    %dma_start3A_83 = tpu.memref_squeeze %dma_start3A_82 : memref<1x200x64xf32, #tpu.memory_space<hbm>> -> memref<200x64xf32, #tpu.memory_space<hbm>>
    %dma_start3A_84 = arith.constant 0 : i32
    %dma_start3A_85 = arith.constant 0 : i32
    %dma_start3A_86 = tpu.memref_slice %arg7[%dma_start3A_68, %dma_start3A_84, %dma_start3A_85] : memref<2x200x64xf32, #tpu.memory_space<vmem>> -> memref<1x200x64xf32, #tpu.memory_space<vmem>>
    %dma_start3A_87 = tpu.memref_squeeze %dma_start3A_86 : memref<1x200x64xf32, #tpu.memory_space<vmem>> -> memref<200x64xf32, #tpu.memory_space<vmem>>
    tpu.enqueue_dma source(%dma_start3A_87 : memref<200x64xf32, #tpu.memory_space<vmem>>) target(%dma_start3A_83 : memref<200x64xf32, #tpu.memory_space<hbm>>) target_semaphore(%dma_start3A_79 : memref<!tpu.dma_semaphore, #tpu.memory_space<semaphore_mem>>)
    %dma_start3A_88 = arith.constant 1 : i32
    %dma_start3A_89 = arith.constant 0 : i32
    %dma_start3A_90 = arith.constant 1 : i32
    %dma_start3A_91 = arith.constant 1 : i32
    %dma_start3A_92 = arith.constant 20 : i32
    %dma_start3A_93 = arith.constant 0 : i32
    %dma_start3A_94 = tpu.memref_slice %arg7[%dma_start3A_90, %dma_start3A_92, %dma_start3A_93] : memref<2x200x64xf32, #tpu.memory_space<vmem>> -> memref<1x96x64xf32, #tpu.memory_space<vmem>>
    %dma_start3A_95 = tpu.memref_squeeze %dma_start3A_94 : memref<1x96x64xf32, #tpu.memory_space<vmem>> -> memref<96x64xf32, #tpu.memory_space<vmem>>
    %dma_start3A_96 = arith.constant 0 : i32
    %dma_start3A_97 = tpu.memref_slice %arg6[%dma_start3A_88, %dma_start3A_89, %dma_start3A_96] : memref<128x2x96xi32, #tpu.memory_space<vmem>> -> memref<1x1x96xi32, #tpu.memory_space<vmem>>
    %dma_start3A_98 = tpu.memref_squeeze %dma_start3A_97 : memref<1x1x96xi32, #tpu.memory_space<vmem>> -> memref<96xi32, #tpu.memory_space<vmem>>
    %dma_start3A_99 = arith.constant 0 : i32
    %dma_start3A_100 = arith.constant 0 : i32
    %dma_start3A_101 = tpu.memref_slice %arg3[%dma_start3A_99, %dma_start3A_100] : memref<100000x64xf32, #tpu.memory_space<hbm>> -> memref<100000x64xf32, #tpu.memory_space<hbm>>
    %dma_start3A_102 = tpu.memref_slice %arg8[%dma_start3A_91] : memref<2x!tpu.dma_semaphore, #tpu.memory_space<semaphore_mem>> -> memref<1x!tpu.dma_semaphore, #tpu.memory_space<semaphore_mem>>
    %dma_start3A_103 = tpu.memref_squeeze %dma_start3A_102 : memref<1x!tpu.dma_semaphore, #tpu.memory_space<semaphore_mem>> -> memref<!tpu.dma_semaphore, #tpu.memory_space<semaphore_mem>>
    tpu.enqueue_indirect_dma source(%dma_start3A_101 : memref<100000x64xf32, #tpu.memory_space<hbm>>) target(%dma_start3A_95 : memref<96x64xf32, #tpu.memory_space<vmem>>) offsets(%dma_start3A_98 : memref<96xi32, #tpu.memory_space<vmem>>) semaphore(%dma_start3A_103 : memref<!tpu.dma_semaphore, #tpu.memory_space<semaphore_mem>>)
    %dma_start3A_104 = arith.constant 1 : i32
    %dma_start3A_105 = arith.constant 1 : i32
    %dma_start3A_106 = arith.constant 1 : i32
    %dma_start3A_107 = arith.constant 1 : i32
    %dma_start3A_108 = arith.constant 104 : i32
    %dma_start3A_109 = arith.constant 0 : i32
    %dma_start3A_110 = tpu.memref_slice %arg7[%dma_start3A_106, %dma_start3A_108, %dma_start3A_109] : memref<2x200x64xf32, #tpu.memory_space<vmem>> -> memref<1x96x64xf32, #tpu.memory_space<vmem>>
    %dma_start3A_111 = tpu.memref_squeeze %dma_start3A_110 : memref<1x96x64xf32, #tpu.memory_space<vmem>> -> memref<96x64xf32, #tpu.memory_space<vmem>>
    %dma_start3A_112 = arith.constant 0 : i32
    %dma_start3A_113 = tpu.memref_slice %arg6[%dma_start3A_104, %dma_start3A_105, %dma_start3A_112] : memref<128x2x96xi32, #tpu.memory_space<vmem>> -> memref<1x1x96xi32, #tpu.memory_space<vmem>>
    %dma_start3A_114 = tpu.memref_squeeze %dma_start3A_113 : memref<1x1x96xi32, #tpu.memory_space<vmem>> -> memref<96xi32, #tpu.memory_space<vmem>>
    %dma_start3A_115 = arith.constant 0 : i32
    %dma_start3A_116 = arith.constant 0 : i32
    %dma_start3A_117 = tpu.memref_slice %arg3[%dma_start3A_115, %dma_start3A_116] : memref<100000x64xf32, #tpu.memory_space<hbm>> -> memref<100000x64xf32, #tpu.memory_space<hbm>>
    %dma_start3A_118 = tpu.memref_slice %arg8[%dma_start3A_107] : memref<2x!tpu.dma_semaphore, #tpu.memory_space<semaphore_mem>> -> memref<1x!tpu.dma_semaphore, #tpu.memory_space<semaphore_mem>>
    %dma_start3A_119 = tpu.memref_squeeze %dma_start3A_118 : memref<1x!tpu.dma_semaphore, #tpu.memory_space<semaphore_mem>> -> memref<!tpu.dma_semaphore, #tpu.memory_space<semaphore_mem>>
    tpu.enqueue_indirect_dma source(%dma_start3A_117 : memref<100000x64xf32, #tpu.memory_space<hbm>>) target(%dma_start3A_111 : memref<96x64xf32, #tpu.memory_space<vmem>>) offsets(%dma_start3A_114 : memref<96xi32, #tpu.memory_space<vmem>>) semaphore(%dma_start3A_119 : memref<!tpu.dma_semaphore, #tpu.memory_space<semaphore_mem>>)
    %scan3A = arith.constant 0 : i32
    %scan3A_120 = arith.constant 1 : i32
    %scan3A_121 = arith.constant 126 : i32
    %scan3A_122 = arith.addi %scan3A_120, %scan3A_121 : i32
    %scan3A_123 = arith.constant 1 : i32
    scf.for %scan3A_223 = %scan3A_120 to %scan3A_122 step %scan3A_123  : i32 {
      %and3A = arith.constant 1 : i32
      %and3A_224 = arith.andi %scan3A_223, %and3A : i32
      %sub3A = arith.constant 1 : i32
      %sub3A_225 = arith.subi %sub3A, %and3A_224 : i32
      %dma_wait3A_226 = arith.constant 0 : i32
      %dma_wait3A_227 = arith.constant 20 : i32
      %dma_wait3A_228 = arith.constant 0 : i32
      %dma_wait3A_229 = tpu.memref_slice %arg7[%and3A_224, %dma_wait3A_227, %dma_wait3A_228] : memref<2x200x64xf32, #tpu.memory_space<vmem>> -> memref<1x96x64xf32, #tpu.memory_space<vmem>>
      %dma_wait3A_230 = tpu.memref_squeeze %dma_wait3A_229 : memref<1x96x64xf32, #tpu.memory_space<vmem>> -> memref<96x64xf32, #tpu.memory_space<vmem>>
      %dma_wait3A_231 = arith.constant 0 : i32
      %dma_wait3A_232 = tpu.memref_slice %arg6[%scan3A_223, %dma_wait3A_226, %dma_wait3A_231] : memref<128x2x96xi32, #tpu.memory_space<vmem>> -> memref<1x1x96xi32, #tpu.memory_space<vmem>>
      %dma_wait3A_233 = tpu.memref_squeeze %dma_wait3A_232 : memref<1x1x96xi32, #tpu.memory_space<vmem>> -> memref<96xi32, #tpu.memory_space<vmem>>
      %dma_wait3A_234 = arith.constant 0 : i32
      %dma_wait3A_235 = arith.constant 0 : i32
      %dma_wait3A_236 = tpu.memref_slice %arg3[%dma_wait3A_234, %dma_wait3A_235] : memref<100000x64xf32, #tpu.memory_space<hbm>> -> memref<100000x64xf32, #tpu.memory_space<hbm>>
      %dma_wait3A_237 = tpu.memref_slice %arg8[%and3A_224] : memref<2x!tpu.dma_semaphore, #tpu.memory_space<semaphore_mem>> -> memref<1x!tpu.dma_semaphore, #tpu.memory_space<semaphore_mem>>
      %dma_wait3A_238 = tpu.memref_squeeze %dma_wait3A_237 : memref<1x!tpu.dma_semaphore, #tpu.memory_space<semaphore_mem>> -> memref<!tpu.dma_semaphore, #tpu.memory_space<semaphore_mem>>
      tpu.wait_indirect_dma semaphore(%dma_wait3A_238 : memref<!tpu.dma_semaphore, #tpu.memory_space<semaphore_mem>>) src(%dma_wait3A_236 : memref<100000x64xf32, #tpu.memory_space<hbm>>) dst(%dma_wait3A_230 : memref<96x64xf32, #tpu.memory_space<vmem>>)
      %dma_wait3A_239 = arith.constant 1 : i32
      %dma_wait3A_240 = arith.constant 104 : i32
      %dma_wait3A_241 = arith.constant 0 : i32
      %dma_wait3A_242 = tpu.memref_slice %arg7[%and3A_224, %dma_wait3A_240, %dma_wait3A_241] : memref<2x200x64xf32, #tpu.memory_space<vmem>> -> memref<1x96x64xf32, #tpu.memory_space<vmem>>
      %dma_wait3A_243 = tpu.memref_squeeze %dma_wait3A_242 : memref<1x96x64xf32, #tpu.memory_space<vmem>> -> memref<96x64xf32, #tpu.memory_space<vmem>>
      %dma_wait3A_244 = arith.constant 0 : i32
      %dma_wait3A_245 = tpu.memref_slice %arg6[%scan3A_223, %dma_wait3A_239, %dma_wait3A_244] : memref<128x2x96xi32, #tpu.memory_space<vmem>> -> memref<1x1x96xi32, #tpu.memory_space<vmem>>
      %dma_wait3A_246 = tpu.memref_squeeze %dma_wait3A_245 : memref<1x1x96xi32, #tpu.memory_space<vmem>> -> memref<96xi32, #tpu.memory_space<vmem>>
      %dma_wait3A_247 = arith.constant 0 : i32
      %dma_wait3A_248 = arith.constant 0 : i32
      %dma_wait3A_249 = tpu.memref_slice %arg3[%dma_wait3A_247, %dma_wait3A_248] : memref<100000x64xf32, #tpu.memory_space<hbm>> -> memref<100000x64xf32, #tpu.memory_space<hbm>>
      %dma_wait3A_250 = tpu.memref_slice %arg8[%and3A_224] : memref<2x!tpu.dma_semaphore, #tpu.memory_space<semaphore_mem>> -> memref<1x!tpu.dma_semaphore, #tpu.memory_space<semaphore_mem>>
      %dma_wait3A_251 = tpu.memref_squeeze %dma_wait3A_250 : memref<1x!tpu.dma_semaphore, #tpu.memory_space<semaphore_mem>> -> memref<!tpu.dma_semaphore, #tpu.memory_space<semaphore_mem>>
      tpu.wait_indirect_dma semaphore(%dma_wait3A_251 : memref<!tpu.dma_semaphore, #tpu.memory_space<semaphore_mem>>) src(%dma_wait3A_249 : memref<100000x64xf32, #tpu.memory_space<hbm>>) dst(%dma_wait3A_243 : memref<96x64xf32, #tpu.memory_space<vmem>>)
      %add3A_252 = arith.addi %mul3A_2, %scan3A_223 : i32
      %dma_start3A_253 = arith.constant 0 : i32
      %dma_start3A_254 = arith.constant 0 : i32
      %dma_start3A_255 = tpu.memref_slice %arg7[%and3A_224, %dma_start3A_253, %dma_start3A_254] : memref<2x200x64xf32, #tpu.memory_space<vmem>> -> memref<1x200x64xf32, #tpu.memory_space<vmem>>
      %dma_start3A_256 = tpu.memref_squeeze %dma_start3A_255 : memref<1x200x64xf32, #tpu.memory_space<vmem>> -> memref<200x64xf32, #tpu.memory_space<vmem>>
      %dma_start3A_257 = arith.constant 0 : i32
      %dma_start3A_258 = arith.constant 0 : i32
      %dma_start3A_259 = tpu.memref_slice %arg5[%add3A_252, %dma_start3A_257, %dma_start3A_258] : memref<4096x200x128xf32, #tpu.memory_space<hbm>> -> memref<1x200x64xf32, #tpu.memory_space<hbm>>
      %dma_start3A_260 = tpu.memref_squeeze %dma_start3A_259 : memref<1x200x64xf32, #tpu.memory_space<hbm>> -> memref<200x64xf32, #tpu.memory_space<hbm>>
      %dma_start3A_261 = tpu.memref_slice %arg9[%and3A_224] : memref<2x!tpu.dma_semaphore, #tpu.memory_space<semaphore_mem>> -> memref<1x!tpu.dma_semaphore, #tpu.memory_space<semaphore_mem>>
      %dma_start3A_262 = tpu.memref_squeeze %dma_start3A_261 : memref<1x!tpu.dma_semaphore, #tpu.memory_space<semaphore_mem>> -> memref<!tpu.dma_semaphore, #tpu.memory_space<semaphore_mem>>
      %dma_start3A_263 = arith.constant 0 : i32
      %dma_start3A_264 = arith.constant 0 : i32
      %dma_start3A_265 = tpu.memref_slice %arg5[%add3A_252, %dma_start3A_263, %dma_start3A_264] : memref<4096x200x128xf32, #tpu.memory_space<hbm>> -> memref<1x200x64xf32, #tpu.memory_space<hbm>>
      %dma_start3A_266 = tpu.memref_squeeze %dma_start3A_265 : memref<1x200x64xf32, #tpu.memory_space<hbm>> -> memref<200x64xf32, #tpu.memory_space<hbm>>
      %dma_start3A_267 = arith.constant 0 : i32
      %dma_start3A_268 = arith.constant 0 : i32
      %dma_start3A_269 = tpu.memref_slice %arg7[%and3A_224, %dma_start3A_267, %dma_start3A_268] : memref<2x200x64xf32, #tpu.memory_space<vmem>> -> memref<1x200x64xf32, #tpu.memory_space<vmem>>
      %dma_start3A_270 = tpu.memref_squeeze %dma_start3A_269 : memref<1x200x64xf32, #tpu.memory_space<vmem>> -> memref<200x64xf32, #tpu.memory_space<vmem>>
      tpu.enqueue_dma source(%dma_start3A_270 : memref<200x64xf32, #tpu.memory_space<vmem>>) target(%dma_start3A_266 : memref<200x64xf32, #tpu.memory_space<hbm>>) target_semaphore(%dma_start3A_262 : memref<!tpu.dma_semaphore, #tpu.memory_space<semaphore_mem>>)
      %sub3A_271 = arith.constant 1 : i32
      %sub3A_272 = arith.subi %scan3A_223, %sub3A_271 : i32
      %add3A_273 = arith.addi %mul3A_2, %sub3A_272 : i32
      %dma_wait3A_274 = arith.constant 0 : i32
      %dma_wait3A_275 = arith.constant 0 : i32
      %dma_wait3A_276 = tpu.memref_slice %arg7[%sub3A_225, %dma_wait3A_274, %dma_wait3A_275] : memref<2x200x64xf32, #tpu.memory_space<vmem>> -> memref<1x200x64xf32, #tpu.memory_space<vmem>>
      %dma_wait3A_277 = tpu.memref_squeeze %dma_wait3A_276 : memref<1x200x64xf32, #tpu.memory_space<vmem>> -> memref<200x64xf32, #tpu.memory_space<vmem>>
      %dma_wait3A_278 = arith.constant 0 : i32
      %dma_wait3A_279 = arith.constant 0 : i32
      %dma_wait3A_280 = tpu.memref_slice %arg5[%add3A_273, %dma_wait3A_278, %dma_wait3A_279] : memref<4096x200x128xf32, #tpu.memory_space<hbm>> -> memref<1x200x64xf32, #tpu.memory_space<hbm>>
      %dma_wait3A_281 = tpu.memref_squeeze %dma_wait3A_280 : memref<1x200x64xf32, #tpu.memory_space<hbm>> -> memref<200x64xf32, #tpu.memory_space<hbm>>
      %dma_wait3A_282 = tpu.memref_slice %arg9[%sub3A_225] : memref<2x!tpu.dma_semaphore, #tpu.memory_space<semaphore_mem>> -> memref<1x!tpu.dma_semaphore, #tpu.memory_space<semaphore_mem>>
      %dma_wait3A_283 = tpu.memref_squeeze %dma_wait3A_282 : memref<1x!tpu.dma_semaphore, #tpu.memory_space<semaphore_mem>> -> memref<!tpu.dma_semaphore, #tpu.memory_space<semaphore_mem>>
      %dma_wait3A_284 = arith.constant 0 : i32
      %dma_wait3A_285 = arith.constant 0 : i32
      %dma_wait3A_286 = tpu.memref_slice %arg5[%add3A_273, %dma_wait3A_284, %dma_wait3A_285] : memref<4096x200x128xf32, #tpu.memory_space<hbm>> -> memref<1x200x64xf32, #tpu.memory_space<hbm>>
      %dma_wait3A_287 = tpu.memref_squeeze %dma_wait3A_286 : memref<1x200x64xf32, #tpu.memory_space<hbm>> -> memref<200x64xf32, #tpu.memory_space<hbm>>
      %dma_wait3A_288 = arith.constant 0 : i32
      %dma_wait3A_289 = arith.constant 0 : i32
      %dma_wait3A_290 = tpu.memref_slice %arg7[%sub3A_225, %dma_wait3A_288, %dma_wait3A_289] : memref<2x200x64xf32, #tpu.memory_space<vmem>> -> memref<1x200x64xf32, #tpu.memory_space<vmem>>
      %dma_wait3A_291 = tpu.memref_squeeze %dma_wait3A_290 : memref<1x200x64xf32, #tpu.memory_space<vmem>> -> memref<200x64xf32, #tpu.memory_space<vmem>>
      tpu.wait_dma2 semaphore(%dma_wait3A_283 : memref<!tpu.dma_semaphore, #tpu.memory_space<semaphore_mem>>) src(%dma_wait3A_291 : memref<200x64xf32, #tpu.memory_space<vmem>>) dst(%dma_wait3A_287 : memref<200x64xf32, #tpu.memory_space<hbm>>)
      %add3A_292 = arith.constant 1 : i32
      %add3A_293 = arith.addi %scan3A_223, %add3A_292 : i32
      %dma_start3A_294 = arith.constant 0 : i32
      %dma_start3A_295 = arith.constant 20 : i32
      %dma_start3A_296 = arith.constant 0 : i32
      %dma_start3A_297 = tpu.memref_slice %arg7[%sub3A_225, %dma_start3A_295, %dma_start3A_296] : memref<2x200x64xf32, #tpu.memory_space<vmem>> -> memref<1x96x64xf32, #tpu.memory_space<vmem>>
      %dma_start3A_298 = tpu.memref_squeeze %dma_start3A_297 : memref<1x96x64xf32, #tpu.memory_space<vmem>> -> memref<96x64xf32, #tpu.memory_space<vmem>>
      %dma_start3A_299 = arith.constant 0 : i32
      %dma_start3A_300 = tpu.memref_slice %arg6[%add3A_293, %dma_start3A_294, %dma_start3A_299] : memref<128x2x96xi32, #tpu.memory_space<vmem>> -> memref<1x1x96xi32, #tpu.memory_space<vmem>>
      %dma_start3A_301 = tpu.memref_squeeze %dma_start3A_300 : memref<1x1x96xi32, #tpu.memory_space<vmem>> -> memref<96xi32, #tpu.memory_space<vmem>>
      %dma_start3A_302 = arith.constant 0 : i32
      %dma_start3A_303 = arith.constant 0 : i32
      %dma_start3A_304 = tpu.memref_slice %arg3[%dma_start3A_302, %dma_start3A_303] : memref<100000x64xf32, #tpu.memory_space<hbm>> -> memref<100000x64xf32, #tpu.memory_space<hbm>>
      %dma_start3A_305 = tpu.memref_slice %arg8[%sub3A_225] : memref<2x!tpu.dma_semaphore, #tpu.memory_space<semaphore_mem>> -> memref<1x!tpu.dma_semaphore, #tpu.memory_space<semaphore_mem>>
      %dma_start3A_306 = tpu.memref_squeeze %dma_start3A_305 : memref<1x!tpu.dma_semaphore, #tpu.memory_space<semaphore_mem>> -> memref<!tpu.dma_semaphore, #tpu.memory_space<semaphore_mem>>
      tpu.enqueue_indirect_dma source(%dma_start3A_304 : memref<100000x64xf32, #tpu.memory_space<hbm>>) target(%dma_start3A_298 : memref<96x64xf32, #tpu.memory_space<vmem>>) offsets(%dma_start3A_301 : memref<96xi32, #tpu.memory_space<vmem>>) semaphore(%dma_start3A_306 : memref<!tpu.dma_semaphore, #tpu.memory_space<semaphore_mem>>)
      %dma_start3A_307 = arith.constant 1 : i32
      %dma_start3A_308 = arith.constant 104 : i32
      %dma_start3A_309 = arith.constant 0 : i32
      %dma_start3A_310 = tpu.memref_slice %arg7[%sub3A_225, %dma_start3A_308, %dma_start3A_309] : memref<2x200x64xf32, #tpu.memory_space<vmem>> -> memref<1x96x64xf32, #tpu.memory_space<vmem>>
      %dma_start3A_311 = tpu.memref_squeeze %dma_start3A_310 : memref<1x96x64xf32, #tpu.memory_space<vmem>> -> memref<96x64xf32, #tpu.memory_space<vmem>>
      %dma_start3A_312 = arith.constant 0 : i32
      %dma_start3A_313 = tpu.memref_slice %arg6[%add3A_293, %dma_start3A_307, %dma_start3A_312] : memref<128x2x96xi32, #tpu.memory_space<vmem>> -> memref<1x1x96xi32, #tpu.memory_space<vmem>>
      %dma_start3A_314 = tpu.memref_squeeze %dma_start3A_313 : memref<1x1x96xi32, #tpu.memory_space<vmem>> -> memref<96xi32, #tpu.memory_space<vmem>>
      %dma_start3A_315 = arith.constant 0 : i32
      %dma_start3A_316 = arith.constant 0 : i32
      %dma_start3A_317 = tpu.memref_slice %arg3[%dma_start3A_315, %dma_start3A_316] : memref<100000x64xf32, #tpu.memory_space<hbm>> -> memref<100000x64xf32, #tpu.memory_space<hbm>>
      %dma_start3A_318 = tpu.memref_slice %arg8[%sub3A_225] : memref<2x!tpu.dma_semaphore, #tpu.memory_space<semaphore_mem>> -> memref<1x!tpu.dma_semaphore, #tpu.memory_space<semaphore_mem>>
      %dma_start3A_319 = tpu.memref_squeeze %dma_start3A_318 : memref<1x!tpu.dma_semaphore, #tpu.memory_space<semaphore_mem>> -> memref<!tpu.dma_semaphore, #tpu.memory_space<semaphore_mem>>
      tpu.enqueue_indirect_dma source(%dma_start3A_317 : memref<100000x64xf32, #tpu.memory_space<hbm>>) target(%dma_start3A_311 : memref<96x64xf32, #tpu.memory_space<vmem>>) offsets(%dma_start3A_314 : memref<96xi32, #tpu.memory_space<vmem>>) semaphore(%dma_start3A_319 : memref<!tpu.dma_semaphore, #tpu.memory_space<semaphore_mem>>)
    }
    %scan3A_124 = arith.constant 126 : i32
    %dma_wait3A_125 = arith.constant 127 : i32
    %dma_wait3A_126 = arith.constant 0 : i32
    %dma_wait3A_127 = arith.constant 1 : i32
    %dma_wait3A_128 = arith.constant 1 : i32
    %dma_wait3A_129 = arith.constant 20 : i32
    %dma_wait3A_130 = arith.constant 0 : i32
    %dma_wait3A_131 = tpu.memref_slice %arg7[%dma_wait3A_127, %dma_wait3A_129, %dma_wait3A_130] : memref<2x200x64xf32, #tpu.memory_space<vmem>> -> memref<1x96x64xf32, #tpu.memory_space<vmem>>
    %dma_wait3A_132 = tpu.memref_squeeze %dma_wait3A_131 : memref<1x96x64xf32, #tpu.memory_space<vmem>> -> memref<96x64xf32, #tpu.memory_space<vmem>>
    %dma_wait3A_133 = arith.constant 0 : i32
    %dma_wait3A_134 = tpu.memref_slice %arg6[%dma_wait3A_125, %dma_wait3A_126, %dma_wait3A_133] : memref<128x2x96xi32, #tpu.memory_space<vmem>> -> memref<1x1x96xi32, #tpu.memory_space<vmem>>
    %dma_wait3A_135 = tpu.memref_squeeze %dma_wait3A_134 : memref<1x1x96xi32, #tpu.memory_space<vmem>> -> memref<96xi32, #tpu.memory_space<vmem>>
    %dma_wait3A_136 = arith.constant 0 : i32
    %dma_wait3A_137 = arith.constant 0 : i32
    %dma_wait3A_138 = tpu.memref_slice %arg3[%dma_wait3A_136, %dma_wait3A_137] : memref<100000x64xf32, #tpu.memory_space<hbm>> -> memref<100000x64xf32, #tpu.memory_space<hbm>>
    %dma_wait3A_139 = tpu.memref_slice %arg8[%dma_wait3A_128] : memref<2x!tpu.dma_semaphore, #tpu.memory_space<semaphore_mem>> -> memref<1x!tpu.dma_semaphore, #tpu.memory_space<semaphore_mem>>
    %dma_wait3A_140 = tpu.memref_squeeze %dma_wait3A_139 : memref<1x!tpu.dma_semaphore, #tpu.memory_space<semaphore_mem>> -> memref<!tpu.dma_semaphore, #tpu.memory_space<semaphore_mem>>
    tpu.wait_indirect_dma semaphore(%dma_wait3A_140 : memref<!tpu.dma_semaphore, #tpu.memory_space<semaphore_mem>>) src(%dma_wait3A_138 : memref<100000x64xf32, #tpu.memory_space<hbm>>) dst(%dma_wait3A_132 : memref<96x64xf32, #tpu.memory_space<vmem>>)
    %dma_wait3A_141 = arith.constant 127 : i32
    %dma_wait3A_142 = arith.constant 1 : i32
    %dma_wait3A_143 = arith.constant 1 : i32
    %dma_wait3A_144 = arith.constant 1 : i32
    %dma_wait3A_145 = arith.constant 104 : i32
    %dma_wait3A_146 = arith.constant 0 : i32
    %dma_wait3A_147 = tpu.memref_slice %arg7[%dma_wait3A_143, %dma_wait3A_145, %dma_wait3A_146] : memref<2x200x64xf32, #tpu.memory_space<vmem>> -> memref<1x96x64xf32, #tpu.memory_space<vmem>>
    %dma_wait3A_148 = tpu.memref_squeeze %dma_wait3A_147 : memref<1x96x64xf32, #tpu.memory_space<vmem>> -> memref<96x64xf32, #tpu.memory_space<vmem>>
    %dma_wait3A_149 = arith.constant 0 : i32
    %dma_wait3A_150 = tpu.memref_slice %arg6[%dma_wait3A_141, %dma_wait3A_142, %dma_wait3A_149] : memref<128x2x96xi32, #tpu.memory_space<vmem>> -> memref<1x1x96xi32, #tpu.memory_space<vmem>>
    %dma_wait3A_151 = tpu.memref_squeeze %dma_wait3A_150 : memref<1x1x96xi32, #tpu.memory_space<vmem>> -> memref<96xi32, #tpu.memory_space<vmem>>
    %dma_wait3A_152 = arith.constant 0 : i32
    %dma_wait3A_153 = arith.constant 0 : i32
    %dma_wait3A_154 = tpu.memref_slice %arg3[%dma_wait3A_152, %dma_wait3A_153] : memref<100000x64xf32, #tpu.memory_space<hbm>> -> memref<100000x64xf32, #tpu.memory_space<hbm>>
    %dma_wait3A_155 = tpu.memref_slice %arg8[%dma_wait3A_144] : memref<2x!tpu.dma_semaphore, #tpu.memory_space<semaphore_mem>> -> memref<1x!tpu.dma_semaphore, #tpu.memory_space<semaphore_mem>>
    %dma_wait3A_156 = tpu.memref_squeeze %dma_wait3A_155 : memref<1x!tpu.dma_semaphore, #tpu.memory_space<semaphore_mem>> -> memref<!tpu.dma_semaphore, #tpu.memory_space<semaphore_mem>>
    tpu.wait_indirect_dma semaphore(%dma_wait3A_156 : memref<!tpu.dma_semaphore, #tpu.memory_space<semaphore_mem>>) src(%dma_wait3A_154 : memref<100000x64xf32, #tpu.memory_space<hbm>>) dst(%dma_wait3A_148 : memref<96x64xf32, #tpu.memory_space<vmem>>)
    %add3A_157 = arith.constant 127 : i32
    %add3A_158 = arith.addi %mul3A_2, %add3A_157 : i32
    %dma_start3A_159 = arith.constant 1 : i32
    %dma_start3A_160 = arith.constant 1 : i32
    %dma_start3A_161 = arith.constant 0 : i32
    %dma_start3A_162 = arith.constant 0 : i32
    %dma_start3A_163 = tpu.memref_slice %arg7[%dma_start3A_159, %dma_start3A_161, %dma_start3A_162] : memref<2x200x64xf32, #tpu.memory_space<vmem>> -> memref<1x200x64xf32, #tpu.memory_space<vmem>>
    %dma_start3A_164 = tpu.memref_squeeze %dma_start3A_163 : memref<1x200x64xf32, #tpu.memory_space<vmem>> -> memref<200x64xf32, #tpu.memory_space<vmem>>
    %dma_start3A_165 = arith.constant 0 : i32
    %dma_start3A_166 = arith.constant 0 : i32
    %dma_start3A_167 = tpu.memref_slice %arg5[%add3A_158, %dma_start3A_165, %dma_start3A_166] : memref<4096x200x128xf32, #tpu.memory_space<hbm>> -> memref<1x200x64xf32, #tpu.memory_space<hbm>>
    %dma_start3A_168 = tpu.memref_squeeze %dma_start3A_167 : memref<1x200x64xf32, #tpu.memory_space<hbm>> -> memref<200x64xf32, #tpu.memory_space<hbm>>
    %dma_start3A_169 = tpu.memref_slice %arg9[%dma_start3A_160] : memref<2x!tpu.dma_semaphore, #tpu.memory_space<semaphore_mem>> -> memref<1x!tpu.dma_semaphore, #tpu.memory_space<semaphore_mem>>
    %dma_start3A_170 = tpu.memref_squeeze %dma_start3A_169 : memref<1x!tpu.dma_semaphore, #tpu.memory_space<semaphore_mem>> -> memref<!tpu.dma_semaphore, #tpu.memory_space<semaphore_mem>>
    %dma_start3A_171 = arith.constant 0 : i32
    %dma_start3A_172 = arith.constant 0 : i32
    %dma_start3A_173 = tpu.memref_slice %arg5[%add3A_158, %dma_start3A_171, %dma_start3A_172] : memref<4096x200x128xf32, #tpu.memory_space<hbm>> -> memref<1x200x64xf32, #tpu.memory_space<hbm>>
    %dma_start3A_174 = tpu.memref_squeeze %dma_start3A_173 : memref<1x200x64xf32, #tpu.memory_space<hbm>> -> memref<200x64xf32, #tpu.memory_space<hbm>>
    %dma_start3A_175 = arith.constant 0 : i32
    %dma_start3A_176 = arith.constant 0 : i32
    %dma_start3A_177 = tpu.memref_slice %arg7[%dma_start3A_159, %dma_start3A_175, %dma_start3A_176] : memref<2x200x64xf32, #tpu.memory_space<vmem>> -> memref<1x200x64xf32, #tpu.memory_space<vmem>>
    %dma_start3A_178 = tpu.memref_squeeze %dma_start3A_177 : memref<1x200x64xf32, #tpu.memory_space<vmem>> -> memref<200x64xf32, #tpu.memory_space<vmem>>
    tpu.enqueue_dma source(%dma_start3A_178 : memref<200x64xf32, #tpu.memory_space<vmem>>) target(%dma_start3A_174 : memref<200x64xf32, #tpu.memory_space<hbm>>) target_semaphore(%dma_start3A_170 : memref<!tpu.dma_semaphore, #tpu.memory_space<semaphore_mem>>)
    %add3A_179 = arith.constant 126 : i32
    %add3A_180 = arith.addi %mul3A_2, %add3A_179 : i32
    %dma_wait3A_181 = arith.constant 0 : i32
    %dma_wait3A_182 = arith.constant 0 : i32
    %dma_wait3A_183 = arith.constant 0 : i32
    %dma_wait3A_184 = arith.constant 0 : i32
    %dma_wait3A_185 = tpu.memref_slice %arg7[%dma_wait3A_181, %dma_wait3A_183, %dma_wait3A_184] : memref<2x200x64xf32, #tpu.memory_space<vmem>> -> memref<1x200x64xf32, #tpu.memory_space<vmem>>
    %dma_wait3A_186 = tpu.memref_squeeze %dma_wait3A_185 : memref<1x200x64xf32, #tpu.memory_space<vmem>> -> memref<200x64xf32, #tpu.memory_space<vmem>>
    %dma_wait3A_187 = arith.constant 0 : i32
    %dma_wait3A_188 = arith.constant 0 : i32
    %dma_wait3A_189 = tpu.memref_slice %arg5[%add3A_180, %dma_wait3A_187, %dma_wait3A_188] : memref<4096x200x128xf32, #tpu.memory_space<hbm>> -> memref<1x200x64xf32, #tpu.memory_space<hbm>>
    %dma_wait3A_190 = tpu.memref_squeeze %dma_wait3A_189 : memref<1x200x64xf32, #tpu.memory_space<hbm>> -> memref<200x64xf32, #tpu.memory_space<hbm>>
    %dma_wait3A_191 = tpu.memref_slice %arg9[%dma_wait3A_182] : memref<2x!tpu.dma_semaphore, #tpu.memory_space<semaphore_mem>> -> memref<1x!tpu.dma_semaphore, #tpu.memory_space<semaphore_mem>>
    %dma_wait3A_192 = tpu.memref_squeeze %dma_wait3A_191 : memref<1x!tpu.dma_semaphore, #tpu.memory_space<semaphore_mem>> -> memref<!tpu.dma_semaphore, #tpu.memory_space<semaphore_mem>>
    %dma_wait3A_193 = arith.constant 0 : i32
    %dma_wait3A_194 = arith.constant 0 : i32
    %dma_wait3A_195 = tpu.memref_slice %arg5[%add3A_180, %dma_wait3A_193, %dma_wait3A_194] : memref<4096x200x128xf32, #tpu.memory_space<hbm>> -> memref<1x200x64xf32, #tpu.memory_space<hbm>>
    %dma_wait3A_196 = tpu.memref_squeeze %dma_wait3A_195 : memref<1x200x64xf32, #tpu.memory_space<hbm>> -> memref<200x64xf32, #tpu.memory_space<hbm>>
    %dma_wait3A_197 = arith.constant 0 : i32
    %dma_wait3A_198 = arith.constant 0 : i32
    %dma_wait3A_199 = tpu.memref_slice %arg7[%dma_wait3A_181, %dma_wait3A_197, %dma_wait3A_198] : memref<2x200x64xf32, #tpu.memory_space<vmem>> -> memref<1x200x64xf32, #tpu.memory_space<vmem>>
    %dma_wait3A_200 = tpu.memref_squeeze %dma_wait3A_199 : memref<1x200x64xf32, #tpu.memory_space<vmem>> -> memref<200x64xf32, #tpu.memory_space<vmem>>
    tpu.wait_dma2 semaphore(%dma_wait3A_192 : memref<!tpu.dma_semaphore, #tpu.memory_space<semaphore_mem>>) src(%dma_wait3A_200 : memref<200x64xf32, #tpu.memory_space<vmem>>) dst(%dma_wait3A_196 : memref<200x64xf32, #tpu.memory_space<hbm>>)
    %add3A_201 = arith.constant 127 : i32
    %add3A_202 = arith.addi %mul3A_2, %add3A_201 : i32
    %dma_wait3A_203 = arith.constant 1 : i32
    %dma_wait3A_204 = arith.constant 1 : i32
    %dma_wait3A_205 = arith.constant 0 : i32
    %dma_wait3A_206 = arith.constant 0 : i32
    %dma_wait3A_207 = tpu.memref_slice %arg7[%dma_wait3A_203, %dma_wait3A_205, %dma_wait3A_206] : memref<2x200x64xf32, #tpu.memory_space<vmem>> -> memref<1x200x64xf32, #tpu.memory_space<vmem>>
    %dma_wait3A_208 = tpu.memref_squeeze %dma_wait3A_207 : memref<1x200x64xf32, #tpu.memory_space<vmem>> -> memref<200x64xf32, #tpu.memory_space<vmem>>
    %dma_wait3A_209 = arith.constant 0 : i32
    %dma_wait3A_210 = arith.constant 0 : i32
    %dma_wait3A_211 = tpu.memref_slice %arg5[%add3A_202, %dma_wait3A_209, %dma_wait3A_210] : memref<4096x200x128xf32, #tpu.memory_space<hbm>> -> memref<1x200x64xf32, #tpu.memory_space<hbm>>
    %dma_wait3A_212 = tpu.memref_squeeze %dma_wait3A_211 : memref<1x200x64xf32, #tpu.memory_space<hbm>> -> memref<200x64xf32, #tpu.memory_space<hbm>>
    %dma_wait3A_213 = tpu.memref_slice %arg9[%dma_wait3A_204] : memref<2x!tpu.dma_semaphore, #tpu.memory_space<semaphore_mem>> -> memref<1x!tpu.dma_semaphore, #tpu.memory_space<semaphore_mem>>
    %dma_wait3A_214 = tpu.memref_squeeze %dma_wait3A_213 : memref<1x!tpu.dma_semaphore, #tpu.memory_space<semaphore_mem>> -> memref<!tpu.dma_semaphore, #tpu.memory_space<semaphore_mem>>
    %dma_wait3A_215 = arith.constant 0 : i32
    %dma_wait3A_216 = arith.constant 0 : i32
    %dma_wait3A_217 = tpu.memref_slice %arg5[%add3A_202, %dma_wait3A_215, %dma_wait3A_216] : memref<4096x200x128xf32, #tpu.memory_space<hbm>> -> memref<1x200x64xf32, #tpu.memory_space<hbm>>
    %dma_wait3A_218 = tpu.memref_squeeze %dma_wait3A_217 : memref<1x200x64xf32, #tpu.memory_space<hbm>> -> memref<200x64xf32, #tpu.memory_space<hbm>>
    %dma_wait3A_219 = arith.constant 0 : i32
    %dma_wait3A_220 = arith.constant 0 : i32
    %dma_wait3A_221 = tpu.memref_slice %arg7[%dma_wait3A_203, %dma_wait3A_219, %dma_wait3A_220] : memref<2x200x64xf32, #tpu.memory_space<vmem>> -> memref<1x200x64xf32, #tpu.memory_space<vmem>>
    %dma_wait3A_222 = tpu.memref_squeeze %dma_wait3A_221 : memref<1x200x64xf32, #tpu.memory_space<vmem>> -> memref<200x64xf32, #tpu.memory_space<vmem>>
    tpu.wait_dma2 semaphore(%dma_wait3A_214 : memref<!tpu.dma_semaphore, #tpu.memory_space<semaphore_mem>>) src(%dma_wait3A_222 : memref<200x64xf32, #tpu.memory_space<vmem>>) dst(%dma_wait3A_218 : memref<200x64xf32, #tpu.memory_space<hbm>>)
    return
  }
}

</mosaic_0001>

<sc_bundles>
// kernel: kernel.3.cloned.1.call-start
scs
__scs_entry_jumppad:
0x0: {  	(pc) =	sbr.rel $0x88, $3  }
0x1: {  	(tag) =	ssettag $0x0;
	lr =	simm.s32 $0x1  }
0x2: {  	[smem:$0x3F9E] =	sst lr;
	_ =	strace $0xD0000000  }
0x3: {  	_ = 	snop  }
0x4: {  	_ = 	snop  }
0x5: {  	_ = 	snop  }
0x6: {  	_ = 	snop  }
0x7: {  	_ = 	snop  }
__scs_overlays_trampoline_lowered:
0x8: {  	[smem:$0x3FAD] =	sst s0  }
0x9: {  	[smem:$0x3FAE] =	sst s1  }
0xa: {  	[smem:$0x3FAF] =	sst s2  }
0xb: {  	[smem:$0x3FB0] =	sst s3  }
0xc: {  	[smem:$0x3FB1] =	sst s4  }
0xd: {  	[smem:$0x3FB2] =	sst s5  }
0xe: {  	[smem:$0x3FB3] =	sst s6  }
0xf: {  	[smem:$0x3FB4] =	sst s7  }
0x10: {  	[smem:$0x3FB5] =	sst s8  }
0x11: {  	[smem:$0x3FB6] =	sst s9;
	s0 =	simm.s32 @!p0 $0x0  }
0x12: {  	s1 =	sld [smem:$0x3F9C];
	s0 =	simm.s32 @p0 $0x1  }
0x13: {  	[smem:$0x3FB7] =	sst s0;
	s0 =	simm.s32 @!p1 $0x0  }
0x14: {  	s2 =	sld [smem:$0x3F9B];
	s0 =	simm.s32 @p1 $0x1  }
0x15: {  	[smem:$0x3FB8] =	sst s0;
	s0 =	simm.s32 @!p2 $0x0  }
0x16: {  	s3 =	sld [smem:$0x3FDB];
	s0 =	simm.s32 @p2 $0x1  }
0x17: {  	s4 =	simm.s32 $0x1BF5;
	[smem:$0x3FBA] =	sst s0  }
0x18: {  	s0 =	sld [smem:$0x3F9D];
	_ =	swait.ge [sflag:s4], $0x0  }
0x19: {  	s7 =	sld [smem:$0x3F9E]  }
0x1a: {  	s8 =	sadd.s32 $0xFFFFE003, lr  }
0x1b: {  	s9 =	sadd.s32 $0xFFFFFEF7, lr;
	s5 =	simm.s32 $0xFFFFFFFF;
	p2 =	slt.u32 s8, $0xFFFFF086  }
0x1c: {  	p1 =	slt.u32 s9, $0xF7A;
	s5 =	simm.s32 @!p2 $0x0  }
0x1d: {  	s5 =	simm.s32 @p1 $0x1;
	p0 =	seq.s32 s7, s2  }
0x1e: {  	s7 =	smul.u32 @!p0 $0xF7A, s2;
	p2 =	seq.s32 @!p0 s5, $0x0  }
0x1f: {  	s9 =	smul.u32 $0xF7A, s1;
	s8 =	simm.s32 @!p0 $0x1BF5;
	p2 =	por !p2, p0  }
0x20: {  	[sflag:s8] =	ssyncset.s32 @!p0 $0xFFFFF086;
	s6 =	sadd.s32 @!p0 s3, s7;
	s7 =	simm.s32 @!p0 $0x108  }
0x21: {  	s3 =	sadd.s32 s3, s9;
	s6 =	sadd.s32 @!p0 $0x88, s6;
	s7 =	simm.s32 @p2 $0x1082  }
0x22: {  	[simem:s7], [sflag:s8] =	dma.local @!p0 [hbm:s6], $0xF7A  }
0x23: {  	s9 =	sor.u32 $0xD0000000, s2;
	s6 =	simm.s32 $0x108;
	_ =	swait.ge @!p0 [sflag:s8], $0x0  }
0x24: {  	s3 =	sadd.s32 $0x88, s3;
	s6 =	simm.s32 @!p1 $0x1082;
	[sflag:s4] =	ssyncset.s32 $0xFFFFF086  }
0x25: {  	[simem:s6], [sflag:s4] =	dma.local [hbm:s3], $0xF7A  }
0x26: {  	[smem:$0x3F9E] =	sst s1;
	(tag) =	ssettag s2;
	_ =	strace s9  }
0x27: {  	s1 =	sld [smem:$0x3FAE]  }
0x28: {  	s2 =	sld [smem:$0x3FAF]  }
0x29: {  	s4 =	sld [smem:$0x3FB1]  }
0x2a: {  	p0 =	seq.s32 s5, $0x0;
	s5 =	sld [smem:$0x3FB2]  }
0x2b: {  	s6 =	sld [smem:$0x3FB3]  }
0x2c: {  	s7 =	sld [smem:$0x3FB4]  }
0x2d: {  	s3 =	simm.s32 $0x108;
	s8 =	sld [smem:$0x3FB5]  }
0x2e: {  	s3 =	simm.s32 @!p0 $0x1082;
	s9 =	sld [smem:$0x3FB6]  }
0x2f: {  	lr =	sadd.s32 s0, s3;
	s0 =	sld [smem:$0x3FAD]  }
0x30: {  	s3 =	sld [smem:$0x3FB0]  }
0x31: {  	[smem:$0x3FB9] =	sst s10  }
0x32: {  	s10 =	sld [smem:$0x3FB7];
	_ =	sdelay $0x3  }
0x33: {  	p0 =	seq.s32 s10, $0x1;
	s10 =	sld [smem:$0x3FB9];
	_ =	sdelay $0x3  }
0x34: {  	[smem:$0x3FB9] =	sst s10  }
0x35: {  	s10 =	sld [smem:$0x3FB8];
	_ =	sdelay $0x3  }
0x36: {  	p1 =	seq.s32 s10, $0x1;
	s10 =	sld [smem:$0x3FB9];
	_ =	sdelay $0x3  }
0x37: {  	[smem:$0x3FB9] =	sst s10  }
0x38: {  	s10 =	sld [smem:$0x3FBA]  }
0x39: {  	_ = 	snop;
	(pc) =	sbr.ind lr, $3  }
0x3a: {  	_ = 	snop  }
0x3b: {  	_ = 	snop  }
0x3c: {  	p2 =	seq.s32 s10, $0x1;
	s10 =	sld [smem:$0x3FB9]  }
0x3d: {  	_ =	shalt  }
0x3e: {  	_ =	shalt  }
0x3f: {  	_ =	shalt  }
0x40: {  	_ =	shalt  }
0x41: {  	_ =	shalt  }
0x42: {  	_ =	shalt  }
0x43: {  	_ =	shalt  }
0x44: {  	_ =	shalt  }
0x45: {  	_ =	shalt  }
0x46: {  	_ =	shalt  }
0x47: {  	_ =	shalt  }
0x48: {  	_ =	shalt  }
0x49: {  	_ =	shalt  }
0x4a: {  	_ =	shalt  }
0x4b: {  	_ =	shalt  }
0x4c: {  	_ =	shalt  }
0x4d: {  	_ =	shalt  }
0x4e: {  	_ =	shalt  }
0x4f: {  	_ =	shalt  }
0x50: {  	_ =	shalt  }
0x51: {  	_ =	shalt  }
0x52: {  	_ =	shalt  }
0x53: {  	_ =	shalt  }
0x54: {  	_ =	shalt  }
0x55: {  	_ =	shalt  }
0x56: {  	_ =	shalt  }
0x57: {  	_ =	shalt  }
0x58: {  	_ =	shalt  }
0x59: {  	_ =	shalt  }
0x5a: {  	_ =	shalt  }
0x5b: {  	_ =	shalt  }
0x5c: {  	_ =	shalt  }
0x5d: {  	_ =	shalt  }
0x5e: {  	_ =	shalt  }
0x5f: {  	_ =	shalt  }
0x60: {  	_ =	shalt  }
0x61: {  	_ =	shalt  }
0x62: {  	_ =	shalt  }
0x63: {  	_ =	shalt  }
0x64: {  	_ =	shalt  }
0x65: {  	_ =	shalt  }
0x66: {  	_ =	shalt  }
0x67: {  	_ =	shalt  }
0x68: {  	_ =	shalt  }
0x69: {  	_ =	shalt  }
0x6a: {  	_ =	shalt  }
0x6b: {  	_ =	shalt  }
0x6c: {  	_ =	shalt  }
0x6d: {  	_ =	shalt  }
0x6e: {  	_ =	shalt  }
0x6f: {  	_ =	shalt  }
0x70: {  	_ =	shalt  }
0x71: {  	_ =	shalt  }
0x72: {  	_ =	shalt  }
0x73: {  	_ =	shalt  }
0x74: {  	_ =	shalt  }
0x75: {  	_ =	shalt  }
0x76: {  	_ =	shalt  }
0x77: {  	_ =	shalt  }
0x78: {  	_ =	shalt  }
0x79: {  	_ =	shalt  }
0x7a: {  	_ =	shalt  }
0x7b: {  	_ =	shalt  }
0x7c: {  	_ =	shalt  }
0x7d: {  	_ =	shalt  }
0x7e: {  	_ =	shalt  }
0x7f: {  	_ =	shalt  }
0x80: {  	_ =	shalt  }
0x81: {  	_ =	shalt  }
0x82: {  	_ =	shalt  }
0x83: {  	_ =	shalt  }
0x84: {  	_ =	shalt  }
0x85: {  	_ =	shalt  }
0x86: {  	_ =	shalt  }
0x87: {  	_ =	shalt  }
.Lfunc_end0:
.L_simem_size_0:
called_computation.1_lowered:
.L_overlay_start_0:
0x88: {  	s2 =	sld [smem:$0x3FD9]  }
0x89: {  	s3 =	sld [smem:$0x3FFE];
	_ =	sdelay $0x1  }
0x8a: {  	s1 =	srdreg.scid  }
0x8b: {  	s0 =	sand.u32 $0x1, s1  }
0x8c: {  	s16 =	sshll.u32 s0, $0xA;
	s2 =	sadd.s32 s3, s2  }
0x8d: {  	s2 =	sadd.s32 s2, s16  }
0x8e: {  	[smem:$0x3FC5] =	sst s2  }
0x8f: {  	_ = 	snop  }
0x90: {  	(tm) =	ssettm $0x1  }
0x91: {  	s17 =	sld [smem:$0x3FFB];
	_ =	sdelay $0x3  }
0x92: {  	_ =	strace s17  }
0x93: {  	s2 =	sld [smem:$0x3FFC];
	_ =	sdelay $0x3  }
0x94: {  	_ =	strace s2  }
0x95: {  	s2 =	sld [smem:$0x3FFD];
	_ =	sdelay $0x3  }
0x96: {  	_ =	strace s2  }
0x97: {  	_ =	strace $0x8FFFFFFF  }
0x98: {  	s18 =	sld [smem:$0x3FDB];
	_ =	sdelay $0x1  }
0x99: {  	s19 =	simm.s32 $_scs_section_size  }
0x9a: {  	s4 =	simm.s32 $_size__tile_overlayer_lowered;
	s5 =	simm.s32 $_tile_overlayer_lowered  }
0x9b: {  	s22 =	simm.s32 $0x1BFF;
	s21 =	sshll.u32 s5, $0x1;
	s2 =	sadd.s32 s19, s18  }
0x9c: {  	s6 =	simm.s32 $0x0;
	s20 =	sshll.u32 s4, $0x1;
	s4 =	sadd.s32 s21, s2  }
0x9d: {  	[timem:s6], [sflag:s22] =	dma.local [hbm:s4], s20  }
0x9e: {  	_ =	swait.ge [sflag:s22], s20  }
0x9f: {  	s3 =	ssub.s32 $0x0, s20;
	[sflag:s22] =	ssyncset.done $0x0  }
0xa0: {  	[sflag:s22] =	ssyncadd.s32 s3;
	_ =	sdelay $0x1  }
0xa1: {  	s23 =	simm.s32 $0x1B8B  }
0xa2: {  	_ =	swait.ge [sflag:s23], $0x1  }
0xa3: {  	[sflag:s23] =	ssyncset.done $0x0  }
0xa4: {  	s25 =	simm.s32 $0x1B8E;
	s24 =	sld [smem:$0x3FFE];
	[sflag:s23] =	ssyncadd.s32 $0xFFFFFFFF  }
0xa5: {  	s26 =	simm.s32 $execute0_lowered;
	[smem:$0x3FD2] =	sst s25  }
0xa6: {  	s4 =	sshll.u32 s26, $0x1;
	_ =	strace $0x80000046;
	[dreg:$0x1] =	wrdreg $0xFFFFFFFF  }
0xa7: {  	s28 =	simm.s32 $_size_execute0_lowered;
	s2 =	sadd.s32 s2, s4;
	[dreg:$0x0] =	wrdreg $0x0  }
0xa8: {  	s4 =	sshll.u32 s28, $0x1;
	[dreg:$0x2] =	wrdreg s2  }
0xa9: {  	[dreg:$0x3] =	wrdreg s4  }
0xaa: {  	[dreg:$0x4] =	wrdreg $0xC0  }
0xab: {  	_ =	task [dreg:s6], $0x5FFFF  }
0xac: {  	[dreg:$0x1] =	wrdreg $0xFFFFFFFF  }
0xad: {  	[dreg:$0x0] =	wrdreg $0x60  }
0xae: {  	[dreg:$0x2] =	wrdreg s24  }
0xaf: {  	[dreg:$0x3] =	wrdreg $0x9  }
0xb0: {  	_ =	task.clear_ibuf [dreg:s6], $0x4FFFF;
	_ =	strace $0x90000046  }
0xb1: {  	s29 =	simm.s32 $0x9;
	_ =	strace $0x80000048  }
0xb2: {  	_ =	swait.ge [sflag:s29], $0x1  }
0xb3: {  	[sflag:s29] =	ssyncadd.s32 $0xFFFFFFFF  }
0xb4: {  	_ =	strace $0x90000048  }
0xb5: {  	_ =	sfence  }
0xb6: {  	s30 =	sld [smem:$0x0];
	_ =	sdelay $0x2  }
0xb7: {  	s31 =	sshll.u32 s1, $0xD;
	s1 =	sshrl.u32 s1, $0x2  }
0xb8: {  	s3 =	sand.u32 $0x4000, s31;
	s1 =	sadd.s32 s1, s30  }
0xb9: {  	s0 =	sor.u32 s3, s0;
	s1 =	sshll.u32 s1, $0x11  }
0xba: {  	s0 =	sor.u32 s1, s0  }
0xbb: {  	s0 =	sadd.s32 $0x8F2B, s0  }
0xbc: {  	[sflag:s0] =	ssyncadd.remote.s32 $0x1  }
0xbd: {  	_ =	sfence.sel $0xFFFF  }
0xbe: {  	[dreg:$0x0] =	wrdreg $0xFFFFFFFF;
	(pc) =	sbr.abs _section_cstart, $3  }
0xbf: {  	[dreg:$0x1] =	wrdreg $0xFFFFFFFF  }
0xc0: {  	_ =	task.clear_ibuf [dreg:s6], $0x2FFFF;
	_ =	strace $0x9FFFFFFF  }
0xc1: {  	(tm) =	ssettm $0x7FFFFFFF  }
tec
execute0_lowered:
.L_overlay_start_1:
0x0: {  	(tag) =	ssettag $0x1  }
0x1: {  	s0 =	srdreg.scid;
	s10 =	stileid.u32  }
0x2: {  	s1 =	rddreg [dreg:$0x0];
	s2 =	simm.s32 $0x0;
	s11 =	simm.s32 $0x6000  }
0x3: {  	s12 =	simm.s32 $0x9200;
	s13 =	simm.s32 $0x60;
	s16 =	simm.s32 $0x40  }
0x4: {  	s17 =	simm.s32 $0x80;
	s22 =	simm.s32 $0x2;
	s23 =	simm.s32 $0x3  }
0x5: {  	s24 =	simm.s32 $0x4;
	s25 =	simm.s32 $0x0;
	s0 =	sand.u32 $0x1, s0  }
0x6: {  	s3 =	sshll.u32 s10, $0x8;
	s10 =	smul.u32 $0xC8000, s10;
	s4 =	sshll.u32 s0, $0x7  }
0x7: {  	s8 =	ssub.s32 $0x2, s0;
	s0 =	smul.u32 $0x64000, s0;
	s5 =	sor.u32 s4, s3  }
0x8: {  	[smem:$0x7FF] =	sst s2;
	s9 =	sshrl.u32 s8, $0x1;
	s3 =	smul.u32 $0x18, s5  }
0x9: {  	_ =	strace $0x80000047;
	s7 =	smul.u32 $0xC80, s5;
	s8 =	ssub.s32 s8, s9  }
0xa: {  	s4 =	sadd.s32 $0xC00, s1;
	s5 =	smul.u32 $0x6400, s5;
	s8 =	smax.u32 s8, $0x1  }
0xb: {  	s6 =	sadd.s32 s3, s1;
	s3 =	sadd.s32 $0x18E00, s1;
	s1 =	sadd.s32 $0xDC400, s1  }
0xc: {  	s31 =	sshrl.u32 s5, $0x3;
	s5 =	sadd.s32 $0xE00, s6;
	s10 =	sadd.s32 s10, s1  }
0xd: {  	s9 =	sadd.s32 s1, s31;
	s6 =	sadd.s32 s1, s7;
	s0 =	sadd.s32 s0, s10  }
0xe: {  	s7 =	sadd.s32 $0x63380, s9;
	s10 =	simm.s32 $0x5;
	s9 =	sadd.s32 $0xC80, s0  }
.LBB2_1:
0xf: {  	[tilespmem:s2], [sflag:$0x5] =	stream.linear.gather [hbm4b:s5+s2], $0x6000, $0x38;
	[tilespmem:$0xC400] =	vst v63  }
0x10: {  	_ =	swait.ge [sflag:s10], $0x6000  }
0x11: {  	[sflag:s10] =	ssyncset.done $0x0  }
0x12: {  	[sflag:s10] =	ssyncadd.s32 $0xFFFFA000  }
0x13: {  	[tilespmem:s11], [sflag:$0x5] =	stream.linear.gather [hbm4b:s4+s2], $0x500, $0x38;
	[tilespmem:$0xC400] =	vst v63  }
0x14: {  	_ =	swait.ge [sflag:s10], $0x500  }
0x15: {  	[sflag:s10] =	ssyncset.done $0x0  }
0x16: {  	[sflag:s10] =	ssyncadd.s32 $0xFFFFFB00  }
0x17: {  	[tilespmem:s12], [sflag:$0x5] =	stream.linear.gather [hbm4b:s4+s2], $0x500, $0x38;
	[tilespmem:$0xC400] =	vst v63  }
0x18: {  	_ =	swait.ge [sflag:s10], $0x500  }
0x19: {  	[sflag:s10] =	ssyncset.done $0x0  }
0x1a: {  	s0 =	simm.s32 $0x6500;
	[sflag:s10] =	ssyncadd.s32 $0xFFFFFB00  }
0x1b: {  	[tilespmem:s0], [sflag:$0x1] =	stream.indirect.gather [hbm4b:s3+s13], $0x40, s2, s13, $0xb8;
	[tilespmem:$0xC400] =	vst v63  }
0x1c: {  	s15 =	simm.s32 $0x7A00;
	s18 =	simm.s32 $0x1  }
0x1d: {  	[tilespmem:s15], [sflag:$0x1] =	stream.indirect.gather [hbm4b:s3+s13], $0x40, s13, s13, $0xb8;
	[tilespmem:$0xC400] =	vst v63  }
0x1e: {  	_ =	swait.ge [sflag:s18], $0x1800  }
0x1f: {  	[sflag:s18] =	ssyncset.done $0x0  }
0x20: {  	[sflag:s18] =	ssyncadd.s32 $0xFFFFE800  }
0x21: {  	_ =	swait.ge [sflag:s18], $0x1800  }
0x22: {  	[sflag:s18] =	ssyncset.done $0x0  }
0x23: {  	s1 =	simm.s32 $0xC0;
	s14 =	simm.s32 $0x9700;
	[sflag:s18] =	ssyncadd.s32 $0xFFFFE800  }
0x24: {  	[hbm4b:s6+s16] =	stream.strided.scatter [tilespmem:s11], [sflag:$0x3], $0x3200, s17, s16, $0x38;
	[tilespmem:$0xC400] =	vst v63  }
0x25: {  	s19 =	simm.s32 $0x120;
	s20 =	simm.s32 $0xAC00;
	s0 =	sand.u32 $0x1, s18  }
0x26: {  	[tilespmem:s14], [sflag:$0x2] =	stream.indirect.gather [hbm4b:s3+s13], $0x40, s1, s13, $0xb8;
	[tilespmem:$0xC400] =	vst v63  }
0x27: {  	s26 =	simm.s32 $0x2;
	s21 =	sadd.s32 $0x1, s0;
	s15 =	smul.u32 $0xC800, s0  }
0x28: {  	[tilespmem:s20], [sflag:$0x2] =	stream.indirect.gather [hbm4b:s3+s13], $0x40, s19, s13, $0xb8;
	[tilespmem:$0xC400] =	vst v63  }
0x29: {  	s29 =	simm.s32 $0x180;
	s26 =	sand.u32 $0x1, s26;
	_ =	swait.ge [sflag:s21], $0x1800  }
0x2a: {  	s28 =	sxor.u32 $0x1, s26;
	s15 =	sshrl.u32 s15, $0x2;
	[sflag:s21] =	ssyncset.done $0x0  }
0x2b: {  	s14 =	sxor.u32 $0x1, s0;
	s0 =	sadd.s32 $0x3, s0;
	[sflag:s21] =	ssyncadd.s32 $0xFFFFE800  }
0x2c: {  	s18 =	smul.u32 $0xC800, s14;
	s30 =	sadd.s32 $0x3, s14;
	_ =	swait.ge [sflag:s21], $0x1800  }
0x2d: {  	s14 =	sadd.s32 $0x1, s14;
	s19 =	sadd.s32 $0x6000, s15;
	[sflag:s21] =	ssyncset.done $0x0  }
0x2e: {  	s20 =	smul.u32 $0xC800, s26;
	s18 =	sshrl.u32 s18, $0x2;
	[sflag:s21] =	ssyncadd.s32 $0xFFFFE800  }
0x2f: {  	[hbm4b:s9+s16] =	stream.strided.scatter [tilespmem:s19], [sflag:s0], $0x3200, s17, s16, $0x38;
	[tilespmem:$0xC400] =	vst v63  }
0x30: {  	s31 =	sshrl.u32 s20, $0x2;
	s21 =	smul.u32 $0xC800, s28;
	_ =	swait.ge [sflag:s30], $0x3200  }
0x31: {  	s15 =	sadd.s32 $0x7A00, s18;
	s0 =	simm.s32 $0x3;
	[sflag:s30] =	ssyncset.done $0x0  }
0x32: {  	s1 =	sshrl.u32 s21, $0x2;
	[sflag:s30] =	ssyncadd.s32 $0xFFFFCE00;
	s30 =	sadd.s32 $0x6500, s18  }
0x33: {  	[tilespmem:s30], [sflag:s14] =	stream.indirect.gather [hbm4b:s3+s13], $0x40, s29, s13, $0xb8;
	[tilespmem:$0xC400] =	vst v63  }
0x34: {  	s18 =	simm.s32 $0x1E0;
	s30 =	sadd.s32 $0xC80, s9;
	s29 =	simm.s32 $0x240  }
.LBB2_2:
0x35: {  	[tilespmem:s15], [sflag:s14] =	stream.indirect.gather [hbm4b:s3+s13], $0x40, s18, s13, $0xb8;
	[tilespmem:$0xC400] =	vst v63  }
0x36: {  	s14 =	smov.u32 s0;
	s15 =	smov.u32 s28;
	s18 =	smov.u32 s1  }
0x37: {  	s19 =	sadd.s32 $0x1, s0;
	s20 =	sadd.s32 $0x1, s26;
	s14 =	sand.u32 $0x1, s14  }
0x38: {  	s28 =	sxor.u32 $0x1, s14;
	s1 =	smul.u32 $0xC800, s14;
	_ =	swait.ge [sflag:s20], $0x1800  }
0x39: {  	p0 =	sne.s32 s0, $0x7E;
	s21 =	smul.u32 $0xC800, s28;
	[sflag:s20] =	ssyncset.done $0x0  }
0x3a: {  	s0 =	sshrl.u32 s1, $0x2;
	[sflag:s20] =	ssyncadd.s32 $0xFFFFE800  }
0x3b: {  	s1 =	sshrl.u32 s21, $0x2;
	_ =	swait.ge [sflag:s20], $0x1800  }
0x3c: {  	s21 =	sadd.s32 $0x3, s15;
	[sflag:s20] =	ssyncset.done $0x0  }
0x3d: {  	[sflag:s20] =	ssyncadd.s32 $0xFFFFE800  }
0x3e: {  	s20 =	sadd.s32 $0x3, s26;
	s26 =	sadd.s32 $0x6000, s31;
	s31 =	smov.u32 s0  }
0x3f: {  	[hbm4b:s30+s16] =	stream.strided.scatter [tilespmem:s26], [sflag:s20], $0x3200, s17, s16, $0x38;
	[tilespmem:$0xC400] =	vst v63  }
.Ltmp0:
0x40: {  	s26 =	smov.u32 s14;
	_ =	swait.ge [sflag:s21], $0x3200;
	(pc) =	sbr.rel @p0 .LBB2_2-.Ltmp0, $4  }
0x41: {  	s0 =	sadd.s32 $0x6500, s18;
	s30 =	sadd.s32 $0xC80, s30;
	[sflag:s21] =	ssyncset.done $0x0  }
0x42: {  	s14 =	sadd.s32 $0x1, s15;
	s15 =	sadd.s32 $0x7A00, s18;
	[sflag:s21] =	ssyncadd.s32 $0xFFFFCE00  }
0x43: {  	[tilespmem:s0], [sflag:s14] =	stream.indirect.gather [hbm4b:s3+s13], $0x40, s29, s13, $0xb8;
	[tilespmem:$0xC400] =	vst v63  }
0x44: {  	s18 =	sadd.s32 $0x60, s29;
	s29 =	sadd.s32 $0xC0, s29;
	s0 =	smov.u32 s19  }
0x45: {  	[tilespmem:s15], [sflag:s14] =	stream.indirect.gather [hbm4b:s3+s13], $0x40, s18, s13, $0xb8;
	[tilespmem:$0xC400] =	vst v63  }
0x46: {  	s0 =	sadd.s32 $0x1, s26  }
0x47: {  	_ =	swait.ge [sflag:s0], $0x1800  }
0x48: {  	[sflag:s0] =	ssyncset.done $0x0  }
0x49: {  	[sflag:s0] =	ssyncadd.s32 $0xFFFFE800  }
0x4a: {  	_ =	swait.ge [sflag:s0], $0x1800  }
0x4b: {  	s19 =	sadd.s32 $0x3, s28;
	[sflag:s0] =	ssyncset.done $0x0  }
0x4c: {  	s20 =	sadd.s32 $0x3, s26;
	s21 =	sadd.s32 $0x6000, s31;
	[sflag:s0] =	ssyncadd.s32 $0xFFFFE800  }
0x4d: {  	[hbm4b:s30+s16] =	stream.strided.scatter [tilespmem:s21], [sflag:s20], $0x3200, s17, s16, $0x38;
	[tilespmem:$0xC400] =	vst v63  }
0x4e: {  	_ =	swait.ge [sflag:s19], $0x3200  }
0x4f: {  	[sflag:s19] =	ssyncset.done $0x0  }
0x50: {  	s26 =	sadd.s32 $0x6500, s1;
	s28 =	sadd.s32 $0x1, s28;
	[sflag:s19] =	ssyncadd.s32 $0xFFFFCE00  }
0x51: {  	[tilespmem:s26], [sflag:s28] =	stream.indirect.gather [hbm4b:s3+s13], $0x40, s29, s13, $0xb8;
	[tilespmem:$0xC400] =	vst v63  }
0x52: {  	s31 =	sadd.s32 $0x60, s29;
	s30 =	sadd.s32 $0x7A00, s1  }
0x53: {  	[tilespmem:s30], [sflag:s28] =	stream.indirect.gather [hbm4b:s3+s13], $0x40, s31, s13, $0xb8;
	[tilespmem:$0xC400] =	vst v63  }
0x54: {  	_ =	swait.ge [sflag:s22], $0x1800  }
0x55: {  	[sflag:s22] =	ssyncset.done $0x0  }
0x56: {  	[sflag:s22] =	ssyncadd.s32 $0xFFFFE800  }
0x57: {  	_ =	swait.ge [sflag:s22], $0x1800  }
0x58: {  	[sflag:s22] =	ssyncset.done $0x0  }
0x59: {  	s25 =	sadd.s32 $0x1, s25;
	[sflag:s22] =	ssyncadd.s32 $0xFFFFE800  }
0x5a: {  	[hbm4b:s7+s16] =	stream.strided.scatter [tilespmem:s12], [sflag:$0x4], $0x3200, s17, s16, $0x38;
	[tilespmem:$0xC400] =	vst v63  }
0x5b: {  	p0 =	sne.s32 s25, s8;
	_ =	swait.ge [sflag:s23], $0x3200  }
.Ltmp1:
0x5c: {  	[sflag:s23] =	ssyncset.done $0x0;
	(pc) =	sbr.rel @p0 .LBB2_1-.Ltmp1, $4  }
0x5d: {  	[sflag:s23] =	ssyncadd.s32 $0xFFFFCE00  }
0x5e: {  	_ =	swait.ge [sflag:s24], $0x3200  }
0x5f: {  	[sflag:s24] =	ssyncset.done $0x0  }
0x60: {  	[sflag:s24] =	ssyncadd.s32 $0xFFFFCE00  }
0x61: {  	_ =	sfence.sel $0x180000  }
0x62: {  	[bflag:$0x0] =	sbarrier.arrive $0xFFFF  }
0x63: {  	_ =	strace $0x90000047  }
0x64: {  	s0 =	stileid.u32;
	[bflag:$0x2] =	sbarrier.arrive $0xFFFF  }
0x65: {  	p0 =	sne.s32 s0, $0x0;
	s0 =	rddreg [dreg:$0x1]  }
0x66: {  	s0 =	sadd.s32 @!p0 $0x100000, s0  }
0x67: {  	[sflag:s0] =	ssyncadd.tile.s32 @!p0 $0x1;
	_ =	shalt  }
.Lfunc_end2:
_tile_overlayer_lowered:
.L_overlay_start_2:
0x68: {  	(tag) =	ssettag $0x2  }
0x69: {  	s0 =	rddreg [dreg:$0x0];
	s2 =	stileid.u32  }
0x6a: {  	s1 =	rddreg [dreg:$0x1];
	p0 =	sne.s32 s2, $0x0  }
0x6b: {  	s3 =	rddreg [dreg:$0x2];
	[bflag:$0x3] =	sbarrier.arrive $0xFFFF;
	s2 =	simm.s32 @!p0 $0x1C05  }
0x6c: {  	[timem:s3], [sflag:s2] =	dma.local @!p0 [hbm:s0], s1  }
0x6d: {  	s0 =	simm.s32 @!p0 $0x5  }
0x6e: {  	_ =	swait.ge @!p0 [sflag:s0], s1  }
0x6f: {  	s1 =	ssub.s32 @!p0 $0x0, s1;
	[sflag:s0] =	ssyncset.done @!p0 $0x0  }
0x70: {  	[sflag:s0] =	ssyncadd.s32 @!p0 s1  }
0x71: {  	[bflag:$0x3] =	sbarrier.arrive $0xFFFF  }
0x72: {  	_ =	shalt  }

// kernel: sparse-core-data-format-call.cloned.1.call-start
scs
called_computation_lowered:
.L_overlay_start_0:
0x0: {  	s2 =	sld [smem:$0x3FD9]  }
0x1: {  	s3 =	sld [smem:$0x3FFE];
	_ =	sdelay $0x1  }
0x2: {  	s1 =	srdreg.scid  }
0x3: {  	s0 =	sand.u32 $0x1, s1  }
0x4: {  	s18 =	sshll.u32 s0, $0xA;
	s2 =	sadd.s32 s3, s2  }
0x5: {  	s2 =	sadd.s32 s2, s18  }
0x6: {  	[smem:$0x3FC5] =	sst s2  }
0x7: {  	_ = 	snop  }
0x8: {  	s2 =	sld [smem:$0x3FD0];
	(tm) =	ssettm $0x1  }
0x9: {  	s19 =	sld [smem:$0x3FFB];
	_ =	sdelay $0x3  }
0xa: {  	_ =	strace s19  }
0xb: {  	s3 =	sld [smem:$0x3FFC];
	_ =	sdelay $0x3  }
0xc: {  	_ =	strace s3  }
0xd: {  	s3 =	sld [smem:$0x3FFD];
	_ =	sdelay $0x3  }
0xe: {  	_ =	strace s3  }
0xf: {  	_ =	strace $0x8FFFFFFF  }
0x10: {  	s20 =	sld [smem:$0x3FDB];
	_ =	sdelay $0x1  }
0x11: {  	s4 =	simm.s32 $_scs_section_size  }
0x12: {  	s5 =	simm.s32 $_size__tile_overlayer_lowered;
	s6 =	simm.s32 $_tile_overlayer_lowered  }
0x13: {  	s23 =	simm.s32 $0x1BFF;
	s22 =	sshll.u32 s6, $0x1;
	s3 =	sadd.s32 s4, s20  }
0x14: {  	s7 =	simm.s32 $0x0;
	s21 =	sshll.u32 s5, $0x1;
	s5 =	sadd.s32 s22, s3  }
0x15: {  	[timem:s7], [sflag:s23] =	dma.local [hbm:s5], s21  }
0x16: {  	_ =	swait.ge [sflag:s23], s21  }
0x17: {  	s4 =	ssub.s32 $0x0, s21;
	[sflag:s23] =	ssyncset.done $0x0  }
0x18: {  	[sflag:s23] =	ssyncadd.s32 s4;
	_ =	sdelay $0x1  }
0x19: {  	s24 =	simm.s32 $0x1B8B  }
0x1a: {  	_ =	swait.ge [sflag:s24], $0x1  }
0x1b: {  	[sflag:s24] =	ssyncset.done $0x0  }
0x1c: {  	s26 =	simm.s32 $0x1B8E;
	s25 =	sld [smem:$0x3FFE];
	[sflag:s24] =	ssyncadd.s32 $0xFFFFFFFF  }
0x1d: {  	s27 =	simm.s32 $execute0_lowered;
	[smem:$0x3FD2] =	sst s26  }
0x1e: {  	s5 =	sshll.u32 s27, $0x1;
	_ =	strace $0x80000049;
	[dreg:$0x1] =	wrdreg $0xFFFFFFFF  }
0x1f: {  	s28 =	simm.s32 $_size_execute0_lowered;
	s3 =	sadd.s32 s3, s5;
	[dreg:$0x0] =	wrdreg $0x0  }
0x20: {  	s5 =	sshll.u32 s28, $0x1;
	[dreg:$0x2] =	wrdreg s3  }
0x21: {  	[dreg:$0x3] =	wrdreg s5  }
0x22: {  	[dreg:$0x4] =	wrdreg $0xC0  }
0x23: {  	_ =	task [dreg:s7], $0x5FFFF  }
0x24: {  	[dreg:$0x1] =	wrdreg $0xFFFFFFFF  }
0x25: {  	[dreg:$0x0] =	wrdreg $0x60  }
0x26: {  	[dreg:$0x2] =	wrdreg s25  }
0x27: {  	[dreg:$0x3] =	wrdreg s2  }
0x28: {  	[dreg:$0x4] =	wrdreg $0x9  }
0x29: {  	_ =	task.clear_ibuf [dreg:s7], $0x5FFFF;
	_ =	strace $0x90000049  }
0x2a: {  	s29 =	simm.s32 $0x9;
	_ =	strace $0x8000004B  }
0x2b: {  	_ =	swait.ge [sflag:s29], $0x1  }
0x2c: {  	[sflag:s29] =	ssyncadd.s32 $0xFFFFFFFF  }
0x2d: {  	_ =	strace $0x9000004B  }
0x2e: {  	_ =	sfence  }
0x2f: {  	s30 =	sld [smem:$0x0];
	_ =	sdelay $0x2  }
0x30: {  	s31 =	sshll.u32 s1, $0xD;
	s1 =	sshrl.u32 s1, $0x2  }
0x31: {  	s3 =	sand.u32 $0x4000, s31;
	s1 =	sadd.s32 s1, s30  }
0x32: {  	s0 =	sor.u32 s3, s0;
	s1 =	sshll.u32 s1, $0x11  }
0x33: {  	s0 =	sor.u32 s1, s0  }
0x34: {  	s0 =	sadd.s32 $0x8F2B, s0  }
0x35: {  	[sflag:s0] =	ssyncadd.remote.s32 $0x1  }
0x36: {  	_ =	sfence.sel $0xFFFF  }
0x37: {  	[dreg:$0x0] =	wrdreg $0xFFFFFFFF;
	(pc) =	sbr.abs _section_cstart, $3  }
0x38: {  	[dreg:$0x1] =	wrdreg $0xFFFFFFFF  }
0x39: {  	_ =	task.clear_ibuf [dreg:s7], $0x2FFFF;
	_ =	strace $0x9FFFFFFF  }
0x3a: {  	(tm) =	ssettm $0x7FFFFFFF  }
0x3b: {  	_ =	shalt  }
tec
execute0_lowered:
.L_overlay_start_1:
0x0: {  	(tag) =	ssettag $0x1  }
0x1: {  	s0 =	srdreg.scid  }
0x2: {  	s1 =	sshll.u32 s0, $0x4  }
0x3: {  	s0 =	stileid.u32;
	s1 =	sand.u32 $0x10, s1  }
0x4: {  	s1 =	sor.u32 s0, s1  }
0x5: {  	s6 =	rddreg [dreg:$0x0];
	s4 =	simm.s32 $0x1;
	s2 =	sshll.u32 s1, $0x7  }
0x6: {  	s7 =	simm.s32 $0x2;
	s12 =	simm.s32 $0x0;
	s1 =	ssub.s32 $0x1000, s2  }
0x7: {  	s8 =	simm.s32 $0x8000;
	s13 =	simm.s32 $0x0;
	s3 =	sand.u32 $0xF80, s1  }
0x8: {  	s9 =	simm.s32 $0x0;
	s5 =	sshrl.u32 s1, $0xC;
	p0 =	sne.s32 s3, $0x0  }
.Ltmp0:
0x9: {  	s1 =	rddreg [dreg:$0x2];
	s4 =	simm.s32 @!p0 $0x0;
	(pc) =	sbr.rel .LBB1_1-.Ltmp0, $4  }
0xa: {  	s11 =	simm.s32 $0x0;
	s3 =	rddreg [dreg:$0x1];
	s5 =	sadd.s32 s4, s5  }
0xb: {  	_ =	strace $0x8000004A;
	s4 =	simm.s32 $0x1;
	s5 =	smul.u32 $0xC8, s5  }
0xc: {  	s6 =	sadd.s32 $0xDC400, s6;
	s10 =	smov.u32 s2;
	[sflag:s4] =	ssyncpa.u1 $0x0  }
0xd: {  	p0 =	por $0x0, $0x0;
	[sflag:s7] =	ssyncpa.u1 $0x0;
	s7 =	sor.u32 $0x1, s5  }
.LBB1_4:
0xe: {  	s16 =	sshll.u32 s13, $0x3;
	s17 =	sand.u32 $0x78, s13  }
0xf: {  	s30 =	sand.u32 $0x7E00, s13;
	s12 =	sshll.u32 s12, $0xF;
	s16 =	sand.u32 $0xC00, s16  }
0x10: {  	[tilespmem:s15+$0x810 ss:$0x81] =	vst.msk $0xffff, v2;
	s31 =	sand.u32 $0x7, s13;
	s16 =	sor.u32 s17, s16;
	s17 =	sadd.s32 s3, s30  }
0x11: {  	[tilespmem:s15+$0x1020 ss:$0x81] =	vst.msk $0xffff, v0;
	s13 =	sshll.u32 s31, $0x12;
	s12 =	sadd.s32 s12, s17;
	s16 =	sshrl.u32 s16, $0x3  }
0x12: {  	[tilespmem:s15+$0x0 ss:$0x81] =	vst.msk $0xffff, v1;
	s13 =	sor.u32 $0x400, s13;
	s12 =	sadd.s32 s16, s12  }
0x13: {  	[hbm4b:s12+s13] =	stream.strided.scatter [tilespmem:s14], [sflag:$0x2], $0x2000, s8, s13, $0x20;
	[tilespmem:$0x8080] =	vst v63  }
.LBB1_5:
0x14: {  	s14 =	sadd.s32 $0x1, s9  }
0x15: {  	s12 =	sadd.s32 $0x1000, s10;
	s16 =	smov.u32 s10;
	p2 =	sgt.s32 s14, $0xC7  }
0x16: {  	s16 =	smov.u32 @p2 s12  }
0x17: {  	s14 =	simm.s32 @p2 $0x0;
	p2 =	sgt.s32 s16, $0xFFF  }
0x18: {  	s16 =	smov.u32 @p2 s2;
	p2 =	sne.s32 s11, s7  }
.Ltmp1:
0x19: {  	p1 =	slt.u32 s11, $0x2;
	(pc) =	sbr.rel @!p2 .LBB1_6-.Ltmp1, $4  }
0x1a: {  	s15 =	simm.s32 @!p1 $0x2  }
0x1b: {  	s13 =	smov.u32 s10;
	p0 =	por !p0, !p0;
	_ =	swait.ge @!p1 [sflag:s15], $0x2000  }
0x1c: {  	s12 =	smov.u32 s9;
	[sflag:s15] =	ssyncset.done @!p1 $0x0;
	s9 =	smov.u32 s14  }
0x1d: {  	s11 =	sadd.s32 $0x1, s11;
	[sflag:s15] =	ssyncadd.s32 @!p1 $0xFFFFE000;
	s10 =	smov.u32 s16  }
.LBB1_1:
0x1e: {  	p1 =	sge.u32 s11, s5  }
0x1f: {  	s14 =	sand.u32 @!p1 $0x1FFFFFF, s9  }
0x20: {  	s15 =	smulhi.u32 @!p1 $0x147AE15, s14;
	_ =	sdelay $0x1  }
0x21: {  	s15 =	smul.u32 @!p1 $0xC8, s15  }
0x22: {  	s16 =	sxor.u32 @!p1 $0xFFFFFFFF, s11;
	s17 =	smul.u32 @!p1 $0xC80, s10  }
0x23: {  	s31 =	sadd.s32 $0xFFFFFFFF, s11;
	s16 =	sshll.u32 @!p1 s16, $0xD;
	s14 =	ssub.s32 @!p1 s14, s15  }
0x24: {  	s15 =	sand.u32 @!p1 $0x2000, s16;
	s16 =	sadd.s32 @!p1 s6, s17;
	s14 =	sshll.u32 @!p1 s14, $0x4  }
0x25: {  	s17 =	simm.s32 @!p1 $0x6400;
	s14 =	sadd.s32 @!p1 s14, s16;
	s16 =	simm.s32 @!p1 $0x40  }
0x26: {  	[tilespmem:s15], [sflag:$0x1] =	stream.strided.gather @!p1 [hbm4b:s14+s16], $0x2000, s17, s16, $0x38;
	[tilespmem:$0x8080] =	vst v63  }
0x27: {  	p1 =	sge.u32 s31, s5  }
.Ltmp2:
0x28: {  	_ = 	snop;
	(pc) =	sbr.rel @p1 .LBB1_5-.Ltmp2, $1  }
0x29: {  	_ =	sdelay $0x3  }
0x2a: {  	s14 =	simm.s32 $0x1  }
0x2b: {  	_ =	swait.ge [sflag:s4], $0x2000;
	s14 =	simm.s32 @!p0 $0x0  }
0x2c: {  	[sflag:s4] =	ssyncset.done $0x0;
	s15 =	sshll.u32 s14, $0xD  }
0x2d: {  	[sflag:s4] =	ssyncadd.s32 $0xFFFFE000;
	s18 =	sor.u32 $0x20, s15  }
0x2e: {  	s14 =	smul.u32 $0x8100, s14;
	v3 =	vld [tilespmem:s18+$0x10]  }
0x2f: {  	s30 =	sand.u32 $0x1, s11;
	v2 =	vld [tilespmem:s18+$0xFFFFFFF0]  }
0x30: {  	s15 =	smul.u32 $0x8100, s30;
	s14 =	sshrl.u32 s14, $0x2;
	v0 =	vld [tilespmem:s18+$0x0]  }
0x31: {  	v1 =	vld [tilespmem:s18+$0xFFFFFFE0];
	s16 =	sor.u32 $0x4000, s14  }
0x32: {  	s31 =	sshrl.u32 s15, $0x2;
	s15 =	sadd.s32 $0x0, s16  }
0x33: {  	s17 =	simm.s32 $0x4;
	s18 =	sadd.s32 $0x40, s18;
	s14 =	sor.u32 $0x4000, s31;
	[tilespmem:s15+$0x1830 ss:$0x81] =	vst.msk $0xffff, v3  }
.LBB1_3:
0x34: {  	v3 =	vld [tilespmem:s18+$0x10];
	p1 =	sne.s32 s17, $0x1FC;
	[tilespmem:s15+$0x810 ss:$0x81] =	vst.msk $0xffff, v2;
	s19 =	smov.u32 s17;
	s17 =	sadd.s32 $0x4, s17  }
.Ltmp3:
0x35: {  	v2 =	vld [tilespmem:s18+$0xFFFFFFF0];
	[tilespmem:s15+$0x1020 ss:$0x81] =	vst.msk $0xffff, v0;
	(pc) =	sbr.rel @p1 .LBB1_3-.Ltmp3, $4  }
0x36: {  	v0 =	vld [tilespmem:s18+$0x0];
	[tilespmem:s15+$0x0 ss:$0x81] =	vst.msk $0xffff, v1  }
0x37: {  	s15 =	sshra.s32 s19, $0x2;
	v1 =	vld [tilespmem:s18+$0xFFFFFFE0]  }
0x38: {  	s15 =	sadd.s32 s15, s16  }
0x39: {  	s18 =	sadd.s32 $0x40, s18;
	[tilespmem:s15+$0x1830 ss:$0x81] =	vst.msk $0xffff, v3  }
.Ltmp4:
0x3a: {  	_ = 	snop;
	(pc) =	sbr.rel .LBB1_4-.Ltmp4, $1  }
0x3b: {  	_ =	sdelay $0x3  }
.LBB1_6:
0x3c: {  	_ =	sfence.sel $0x180000  }
0x3d: {  	s2 =	simm.s32 $0x1;
	[bflag:$0x0] =	sbarrier.arrive $0xFFFF  }
0x3e: {  	s31 =	simm.s32 $0x2;
	[sflag:s2] =	ssyncpa.u1 $0x1  }
0x3f: {  	[sflag:s31] =	ssyncpa.u1 $0x1  }
0x40: {  	p0 =	sne.s32 s0, $0x0;
	_ =	strace $0x9000004A  }
0x41: {  	s0 =	sadd.s32 @!p0 $0x100000, s1;
	[bflag:$0x2] =	sbarrier.arrive $0xFFFF  }
0x42: {  	[sflag:s0] =	ssyncadd.tile.s32 @!p0 $0x1;
	_ =	shalt  }
.Lfunc_end1:
_tile_overlayer_lowered:
.L_overlay_start_2:
0x43: {  	(tag) =	ssettag $0x2  }
0x44: {  	s0 =	rddreg [dreg:$0x0];
	s2 =	stileid.u32  }
0x45: {  	s1 =	rddreg [dreg:$0x1];
	p0 =	sne.s32 s2, $0x0  }
0x46: {  	s3 =	rddreg [dreg:$0x2];
	[bflag:$0x3] =	sbarrier.arrive $0xFFFF;
	s2 =	simm.s32 @!p0 $0x1C01  }
0x47: {  	[timem:s3], [sflag:s2] =	dma.local @!p0 [hbm:s0], s1  }
0x48: {  	s0 =	simm.s32 @!p0 $0x1  }
0x49: {  	_ =	swait.ge @!p0 [sflag:s0], s1  }
0x4a: {  	s1 =	ssub.s32 @!p0 $0x0, s1;
	[sflag:s0] =	ssyncset.done @!p0 $0x0  }
0x4b: {  	[sflag:s0] =	ssyncadd.s32 @!p0 s1  }
0x4c: {  	[bflag:$0x3] =	sbarrier.arrive $0xFFFF  }
0x4d: {  	_ =	shalt  }

</sc_bundles>
